<compile_context>
chip_gen: v7x
topology: tpu7x:2x2x1
jax: 0.10.2.dev20260603
libtpu: 0.0.44.dev20260713+nightly
codegen_flags: <defaults>
</compile_context>

<pallas_src>
import functools

import jax
import jax.numpy as jnp
from jax import lax
from jax.experimental import pallas as pl
from jax.experimental.pallas import tpu as pltpu
from jax.experimental.pallas import tpu_sc as plsc

N = 10000
E = 320000
C = 64
NSP = 4
NB = 8
NSH = 9
RC = 5.0
AVG = 32.0

NC = 2
NS = 16
NW = NC * NS
EPW = E // NW
B = 80
K = EPW // B
NPAD = 10240


def _sc_gather_body(h_hbm, src_hbm, out_hbm, idx_v, rows0, rows1, sem0, sem1):
    wid = lax.axis_index("c") * NS + lax.axis_index("s")
    base = wid * EPW
    pltpu.sync_copy(src_hbm.at[wid], idx_v)

    pltpu.async_copy(h_hbm.at[idx_v.at[0]], rows0, sem0)

    def body(j, _):
        even = lax.rem(j, 2) == 0
        @pl.when(even)
        def _():
            pltpu.async_copy(h_hbm.at[idx_v.at[j + 1]], rows1, sem1)
            pltpu.make_async_copy(h_hbm.at[idx_v.at[j]], rows0, sem0).wait()
            pltpu.sync_copy(rows0, out_hbm.at[pl.ds(base + j * B, B)])
        @pl.when(jnp.logical_not(even))
        def _():
            pltpu.async_copy(h_hbm.at[idx_v.at[j + 1]], rows0, sem0)
            pltpu.make_async_copy(h_hbm.at[idx_v.at[j]], rows1, sem1).wait()
            pltpu.sync_copy(rows1, out_hbm.at[pl.ds(base + j * B, B)])
        return _

    lax.fori_loop(0, K - 1, body, None)
    last_even = (K - 1) % 2 == 0
    last_rows, last_sem = (rows0, sem0) if last_even else (rows1, sem1)
    pltpu.make_async_copy(h_hbm.at[idx_v.at[K - 1]], last_rows, last_sem).wait()
    pltpu.sync_copy(last_rows, out_hbm.at[pl.ds(base + (K - 1) * B, B)])


def _sc_scatter_body(t_hbm, dst_hbm, z_hbm, out_hbm, idx_v, rows0, rows1, acc,
                     sem0, sem1):
    cid = lax.axis_index("c")
    sid = lax.axis_index("s")
    wid = cid * NS + sid
    base = wid * EPW
    rps = NPAD // NS

    pltpu.sync_copy(z_hbm.at[pl.ds(sid * rps, rps)], acc.at[pl.ds(sid * rps, rps)])
    pltpu.sync_copy(dst_hbm.at[wid], idx_v)
    plsc.subcore_barrier()

    pltpu.async_copy(t_hbm.at[pl.ds(base, B)], rows0, sem0)

    def body(j, _):
        even = lax.rem(j, 2) == 0
        @pl.when(even)
        def _():
            pltpu.async_copy(t_hbm.at[pl.ds(base + (j + 1) * B, B)], rows1, sem1)
            pltpu.make_async_copy(t_hbm.at[pl.ds(base + j * B, B)], rows0, sem0).wait()
            pltpu.sync_copy(rows0, acc.at[idx_v.at[j]], add=True)
        @pl.when(jnp.logical_not(even))
        def _():
            pltpu.async_copy(t_hbm.at[pl.ds(base + (j + 1) * B, B)], rows0, sem0)
            pltpu.make_async_copy(t_hbm.at[pl.ds(base + j * B, B)], rows1, sem1).wait()
            pltpu.sync_copy(rows1, acc.at[idx_v.at[j]], add=True)
        return _

    lax.fori_loop(0, K - 1, body, None)
    last_even = (K - 1) % 2 == 0
    last_rows, last_sem = (rows0, sem0) if last_even else (rows1, sem1)
    pltpu.make_async_copy(
        t_hbm.at[pl.ds(base + (K - 1) * B, B)], last_rows, last_sem).wait()
    pltpu.sync_copy(last_rows, acc.at[idx_v.at[K - 1]], add=True)

    plsc.subcore_barrier()
    pltpu.sync_copy(acc.at[pl.ds(sid * rps, rps)],
                    out_hbm.at[cid, pl.ds(sid * rps, rps)])


@functools.lru_cache(maxsize=None)
def _sc_kernels():
    mesh = plsc.VectorSubcoreMesh(core_axis_name="c", subcore_axis_name="s",
                                  num_cores=NC, num_subcores=NS)
    params = pltpu.CompilerParams(use_tc_tiling_on_sc=False)
    gather = pl.kernel(
        _sc_gather_body,
        compiler_params=params,
        out_type=jax.ShapeDtypeStruct((E, C), jnp.float32),
        mesh=mesh,
        scratch_types=[
            pltpu.VMEM((K, B), jnp.int32),
            pltpu.VMEM((B, C), jnp.float32),
            pltpu.VMEM((B, C), jnp.float32),
            pltpu.SemaphoreType.DMA,
            pltpu.SemaphoreType.DMA,
        ],
    )
    scatter = pl.kernel(
        _sc_scatter_body,
        compiler_params=params,
        out_type=jax.ShapeDtypeStruct((NC, NPAD, C), jnp.float32),
        mesh=mesh,
        scratch_types=[
            pltpu.VMEM((K, B), jnp.int32),
            pltpu.VMEM((B, C), jnp.float32),
            pltpu.VMEM((B, C), jnp.float32),
            pltpu.VMEM_SHARED((NPAD, C), jnp.float32),
            pltpu.SemaphoreType.DMA,
            pltpu.SemaphoreType.DMA,
        ],
    )
    return gather, scatter



BE = 2560
BN = 2000

_S3 = 3.0 ** 0.5
_S5 = 5.0 ** 0.5
_S15 = 15.0 ** 0.5


def _edge_body(el_ref, ev_ref, xs_ref, wr1_ref, wr2_ref, wl_ref, out_ref):
    r = el_ref[...]
    u = r * (1.0 / RC)
    u2 = u * u
    u5 = u2 * u2 * u
    fc = 1.0 - 21.0 * u5 + 35.0 * u5 * u - 15.0 * u5 * u2
    fc = fc * (u < 1.0).astype(jnp.float32)
    n = lax.broadcasted_iota(jnp.int32, (1, NB), 1).astype(jnp.float32) + 1.0
    arg = n * (jnp.pi / RC) * r
    eb = (jnp.sqrt(2.0 / RC) * fc / r) * jnp.sin(arg)

    z1 = jnp.dot(eb, wr1_ref[...], preferred_element_type=jnp.float32)
    a1 = z1 * jax.nn.sigmoid(z1)
    rad = jnp.dot(a1, wr2_ref[...], preferred_element_type=jnp.float32)

    v = ev_ref[...]
    inv = 1.0 / (jnp.sqrt(jnp.sum(v * v, axis=1, keepdims=True)) + 1e-9)
    x = v[:, 0:1] * inv
    y = v[:, 1:2] * inv
    z = v[:, 2:3] * inv

    u_e = xs_ref[...] * rad
    vv = jnp.dot(u_e, wl_ref[...], preferred_element_type=jnp.float32)

    sh = (
        None,
        _S3 * x, _S3 * y, _S3 * z,
        _S15 * x * y, _S15 * y * z,
        0.5 * _S5 * (3.0 * z * z - 1.0),
        _S15 * x * z,
        0.5 * _S15 * (x * x - y * y),
    )
    acc = vv[:, 0:C]
    for s in range(1, NSH):
        acc = acc + vv[:, s * C:(s + 1) * C] * sh[s]
    out_ref[...] = acc


def _tc_edge(edge_length, edge_vector, xs, wr1, wr2, wl2d):
    return pl.pallas_call(
        _edge_body,
        grid=(E // BE,),
        in_specs=[
            pl.BlockSpec((BE, 1), lambda i: (i, 0)),
            pl.BlockSpec((BE, 3), lambda i: (i, 0)),
            pl.BlockSpec((BE, C), lambda i: (i, 0)),
            pl.BlockSpec((NB, C), lambda i: (0, 0)),
            pl.BlockSpec((C, C), lambda i: (0, 0)),
            pl.BlockSpec((C, NSH * C), lambda i: (0, 0)),
        ],
        out_specs=pl.BlockSpec((BE, C), lambda i: (i, 0)),
        out_shape=jax.ShapeDtypeStruct((E, C), jnp.float32),
    )(edge_length, edge_vector, xs, wr1, wr2, wl2d)


def _onehot_mix(na, w):
    return sum(na[:, k:k + 1] * w[k:k + 1, :] for k in range(NSP))


def _embed_body(na_ref, w_ref, out_ref):
    out_ref[...] = _onehot_mix(na_ref[...], w_ref[...])


def _tc_embed(node_attrs, w_node):
    return pl.pallas_call(
        _embed_body,
        grid=(N // BN,),
        in_specs=[
            pl.BlockSpec((BN, NSP), lambda i: (i, 0)),
            pl.BlockSpec((NSP, C), lambda i: (0, 0)),
        ],
        out_specs=pl.BlockSpec((BN, C), lambda i: (i, 0)),
        out_shape=jax.ShapeDtypeStruct((N, C), jnp.float32),
    )(node_attrs, w_node)


def _node_body(p_ref, h_ref, na_ref, wsp_ref, wsk_ref, wp2_ref, out_ref):
    m = (p_ref[0] + p_ref[1]) * (1.0 / AVG)
    na = na_ref[...]
    sp = _onehot_mix(na, wsp_ref[...])
    sk = _onehot_mix(na, wsk_ref[...])
    quad = jnp.dot(m * m, wp2_ref[...], preferred_element_type=jnp.float32)
    out_ref[...] = m * sp + quad + h_ref[...] * sk


def _tc_node(partials, h, node_attrs, wsp, wsk, wp2):
    return pl.pallas_call(
        _node_body,
        grid=(N // BN,),
        in_specs=[
            pl.BlockSpec((NC, BN, C), lambda i: (0, i, 0)),
            pl.BlockSpec((BN, C), lambda i: (i, 0)),
            pl.BlockSpec((BN, NSP), lambda i: (i, 0)),
            pl.BlockSpec((NSP, C), lambda i: (0, 0)),
            pl.BlockSpec((NSP, C), lambda i: (0, 0)),
            pl.BlockSpec((C, C), lambda i: (0, 0)),
        ],
        out_specs=pl.BlockSpec((BN, C), lambda i: (i, 0)),
        out_shape=jax.ShapeDtypeStruct((N, C), jnp.float32),
    )(partials, h, node_attrs, wsp, wsk, wp2)



def kernel(node_attrs, edge_index, edge_vector, edge_length,
           W_node, Wr1, Wr2, Wl, Wsk, Wsp, Wp2):
    src = edge_index[0].astype(jnp.int32).reshape(NW, K, B)
    dst = edge_index[1].astype(jnp.int32).reshape(NW, K, B)
    zeros = jnp.zeros((NPAD, C), jnp.float32)

    sc_gather, sc_scatter = _sc_kernels()
    h = _tc_embed(node_attrs, W_node)
    descriptors = []
    for l in range(2):
        xs = sc_gather(h, src)
        t = _tc_edge(edge_length, edge_vector, xs,
                     Wr1[l], Wr2[l], Wl[l].reshape(C, NSH * C))
        partials = sc_scatter(t, dst, zeros)
        h = _tc_node(partials, h, node_attrs, Wsp[l], Wsk[l], Wp2[l])
        descriptors.append(h)
    return jnp.concatenate(descriptors, axis=-1)

# --- scband reference (transcript-rebuilt; emitter-appended) ---
"""Pipeline reference for scband-sph-tacedescriptor-47931835023964 (READ-ONLY COPY).

The authoritative reference and input builder live on the scoring server;
editing this copy changes nothing except your own understanding.
"""

import jax, jax.numpy as jnp
import numpy as np

N = 10000
E = 320000
C = 64
NSP = 4
NB = 8
NSH = 9
NLAYERS = 2
RC = 5.0
AVG = 32.0


def _bessel_j0(r):
    # r: [E, 1] -> [E, NB], MACE-style j0 Bessel radial basis
    n = jnp.arange(1, NB + 1, dtype=jnp.float32)
    arg = n[None, :] * jnp.pi * r / RC
    return jnp.sqrt(2.0 / RC) * jnp.sin(arg) / r


def _poly_cutoff(r):
    # polynomial cutoff envelope, p = 5
    u = r / RC
    fc = 1.0 - 21.0 * u**5 + 35.0 * u**6 - 15.0 * u**7
    return fc * (u < 1.0).astype(jnp.float32)


def _spherical_harmonics(v):
    # component-normalized real SH up to l=2 on unit vectors, [E,3] -> [E,9]
    vhat = v / (jnp.linalg.norm(v, axis=-1, keepdims=True) + 1e-9)
    x, y, z = vhat[:, 0], vhat[:, 1], vhat[:, 2]
    s3 = jnp.sqrt(3.0)
    s5 = jnp.sqrt(5.0)
    s15 = jnp.sqrt(15.0)
    return jnp.stack([
        jnp.ones_like(x),
        s3 * x, s3 * y, s3 * z,
        s15 * x * y, s15 * y * z,
        0.5 * s5 * (3.0 * z * z - 1.0),
        s15 * x * z,
        0.5 * s15 * (x * x - y * y),
    ], axis=-1)


def setup_inputs(seed: int = 0) -> dict:
    key = jax.random.key(seed)
    ks = jax.random.split(key, 12)
    species = jax.random.randint(ks[0], (N,), 0, NSP)
    node_attrs = jax.nn.one_hot(species, NSP, dtype=jnp.float32)
    edge_index = jax.random.randint(ks[1], (2, E), 0, N).astype(jnp.int64)
    edge_vector = jax.random.normal(ks[2], (E, 3), jnp.float32)
    edge_length = jax.random.uniform(ks[3], (E, 1), jnp.float32, 0.5, 4.5)
    W_node = jax.random.normal(ks[4], (NSP, C), jnp.float32) / jnp.sqrt(NSP)
    Wr1 = jax.random.normal(ks[5], (NLAYERS, NB, C), jnp.float32) / jnp.sqrt(NB)
    Wr2 = jax.random.normal(ks[6], (NLAYERS, C, C), jnp.float32) / jnp.sqrt(C)
    Wl = jax.random.normal(ks[7], (NLAYERS, C * NSH, C), jnp.float32) / jnp.sqrt(C * NSH)
    Wsk = jax.random.normal(ks[8], (NLAYERS, NSP, C), jnp.float32) / jnp.sqrt(NSP)
    Wsp = jax.random.normal(ks[9], (NLAYERS, NSP, C), jnp.float32) / jnp.sqrt(NSP)
    Wp2 = jax.random.normal(ks[10], (NLAYERS, C, C), jnp.float32) / jnp.sqrt(C)
    return {
        'node_attrs': node_attrs, 'edge_index': edge_index,
        'edge_vector': edge_vector, 'edge_length': edge_length,
        'W_node': W_node, 'Wr1': Wr1, 'Wr2': Wr2, 'Wl': Wl,
        'Wsk': Wsk, 'Wsp': Wsp, 'Wp2': Wp2,
    }


def reference(node_attrs, edge_index, edge_vector, edge_length,
              W_node, Wr1, Wr2, Wl, Wsk, Wsp, Wp2):
    src = edge_index[0]
    dst = edge_index[1]
    # node embedding (linear over one-hot species)
    h = node_attrs @ W_node  # [N, C]
    # radial embedding with polynomial cutoff
    fc = _poly_cutoff(edge_length)          # [E, 1]
    eb = _bessel_j0(edge_length) * fc       # [E, NB]
    # angular embedding (spherical harmonics of normalized edge vectors)
    sh = _spherical_harmonics(edge_vector)  # [E, NSH]
    descriptors = []
    for l in range(NLAYERS):
        # radial MLP producing per-edge channel weights
        R = jax.nn.silu(eb @ Wr1[l]) @ Wr2[l]           # [E, C]
        # gather sender node features (memory-bound)
        xs = jnp.take(h, src, axis=0)                   # [E, C]
        # tensor-product message: channel x spherical-harmonic outer product
        msg = (xs * R)[:, :, None] * sh[:, None, :]     # [E, C, NSH]
        # scatter-add aggregation to destination nodes (memory-bound)
        agg = jnp.zeros((N, C, NSH), jnp.float32).at[dst].add(msg) / AVG
        # linear mixing over (channel, sh) -> channel
        m = agg.reshape(N, C * NSH) @ Wl[l]             # [N, C]
        # species-dependent skip connection (sc)
        sc = h * (node_attrs @ Wsk[l])                  # [N, C]
        # self-contraction product (species-gated linear + quadratic term) + sc
        h = m * (node_attrs @ Wsp[l]) + (m * m) @ Wp2[l] + sc
        descriptors.append(h)
    return jnp.concatenate(descriptors, axis=-1)        # [N, NLAYERS*C]

if __name__ == "__main__":
    import jax
    _d = setup_inputs()
    print(jax.jit(kernel)(*tuple(_d.values())))

</pallas_src>

<mosaic_0001>
#map = affine_map<(d0, d1) -> (0, 0)>
#map1 = affine_map<(d0, d1) -> (0, 0, 0)>
module attributes {stable_mosaic.version = 14 : i64} {
  func.func @_sc_scatter_body(%arg0: i32, %arg1: i32, %arg2: memref<320000x64xf32, #tpu.memory_space<hbm>>, %arg3: memref<32x125x80xi32, #tpu.memory_space<hbm>>, %arg4: memref<10240x64xf32, #tpu.memory_space<hbm>>, %arg5: memref<2x10240x64xf32, #tpu.memory_space<hbm>>, %arg6: memref<125x80xi32, #tpu.memory_space<vmem>>, %arg7: memref<80x64xf32, #tpu.memory_space<vmem>>, %arg8: memref<80x64xf32, #tpu.memory_space<vmem>>, %arg9: memref<10240x64xf32, #tpu.memory_space<vmem_shared>>, %arg10: memref<!tpu.dma_semaphore, #tpu.memory_space<semaphore_mem>>, %arg11: memref<!tpu.dma_semaphore, #tpu.memory_space<semaphore_mem>>) attributes {dimension_semantics = [#tpu.dimension_semantics<core_parallel>, #tpu.dimension_semantics<subcore_parallel>], iteration_bounds = array<i64: 2, 16>, scalar_prefetch = 0 : i64, scratch_operands = 6 : i64, tpu.core_type = #tpu.core_type<sc_vector_subcore>, window_params = [{transform_indices = #map}, {transform_indices = #map1}, {transform_indices = #map}, {transform_indices = #map1}]} {
    %mul3A = arith.constant 16 : i32
    %mul3A_0 = arith.muli %arg0, %mul3A : i32
    %add3A = arith.addi %mul3A_0, %arg1 : i32
    %mul3A_1 = arith.constant 10000 : i32
    %mul3A_2 = arith.muli %add3A, %mul3A_1 : i32
    %mul3A_3 = arith.constant 640 : i32
    %mul3A_4 = arith.muli %arg1, %mul3A_3 : i32
    %mul3A_5 = arith.constant 640 : i32
    %mul3A_6 = arith.muli %arg1, %mul3A_5 : i32
    "tpu.region"() ({
      %run_scoped3A_24 = tpu.sem_alloc : memref<!tpu.dma_semaphore, #tpu.memory_space<semaphore_mem>>
      %dma_start3A_25 = arith.constant 0 : i32
      %dma_start3A_26 = tpu.memref_slice %arg9[%mul3A_6, %dma_start3A_25] : memref<10240x64xf32, #tpu.memory_space<vmem_shared>> -> memref<640x64xf32, #tpu.memory_space<vmem_shared>>
      %dma_start3A_27 = arith.constant 0 : i32
      %dma_start3A_28 = tpu.memref_slice %arg4[%mul3A_4, %dma_start3A_27] : memref<10240x64xf32, #tpu.memory_space<hbm>> -> memref<640x64xf32, #tpu.memory_space<hbm>>
      tpu.enqueue_dma source(%dma_start3A_28 : memref<640x64xf32, #tpu.memory_space<hbm>>) target(%dma_start3A_26 : memref<640x64xf32, #tpu.memory_space<vmem_shared>>) target_semaphore(%run_scoped3A_24 : memref<!tpu.dma_semaphore, #tpu.memory_space<semaphore_mem>>)
      %dma_wait3A_29 = arith.constant 0 : i32
      %dma_wait3A_30 = tpu.memref_slice %arg9[%mul3A_6, %dma_wait3A_29] : memref<10240x64xf32, #tpu.memory_space<vmem_shared>> -> memref<640x64xf32, #tpu.memory_space<vmem_shared>>
      %dma_wait3A_31 = arith.constant 0 : i32
      %dma_wait3A_32 = tpu.memref_slice %arg4[%mul3A_4, %dma_wait3A_31] : memref<10240x64xf32, #tpu.memory_space<hbm>> -> memref<640x64xf32, #tpu.memory_space<hbm>>
      tpu.wait_dma2 semaphore(%run_scoped3A_24 : memref<!tpu.dma_semaphore, #tpu.memory_space<semaphore_mem>>) src(%dma_wait3A_32 : memref<640x64xf32, #tpu.memory_space<hbm>>) dst(%dma_wait3A_30 : memref<640x64xf32, #tpu.memory_space<vmem_shared>>)
      tpu.yield
    }) : () -> ()
    "tpu.region"() ({
      %run_scoped3A_24 = tpu.sem_alloc : memref<!tpu.dma_semaphore, #tpu.memory_space<semaphore_mem>>
      %dma_start3A_25 = arith.constant 0 : i32
      %dma_start3A_26 = arith.constant 0 : i32
      %dma_start3A_27 = tpu.memref_slice %arg3[%add3A, %dma_start3A_25, %dma_start3A_26] : memref<32x125x80xi32, #tpu.memory_space<hbm>> -> memref<1x125x80xi32, #tpu.memory_space<hbm>>
      %dma_start3A_28 = tpu.memref_squeeze %dma_start3A_27 : memref<1x125x80xi32, #tpu.memory_space<hbm>> -> memref<125x80xi32, #tpu.memory_space<hbm>>
      %dma_start3A_29 = arith.constant 0 : i32
      %dma_start3A_30 = arith.constant 0 : i32
      %dma_start3A_31 = tpu.memref_slice %arg3[%add3A, %dma_start3A_29, %dma_start3A_30] : memref<32x125x80xi32, #tpu.memory_space<hbm>> -> memref<1x125x80xi32, #tpu.memory_space<hbm>>
      %dma_start3A_32 = tpu.memref_squeeze %dma_start3A_31 : memref<1x125x80xi32, #tpu.memory_space<hbm>> -> memref<125x80xi32, #tpu.memory_space<hbm>>
      tpu.enqueue_dma source(%dma_start3A_32 : memref<125x80xi32, #tpu.memory_space<hbm>>) target(%arg6 : memref<125x80xi32, #tpu.memory_space<vmem>>) target_semaphore(%run_scoped3A_24 : memref<!tpu.dma_semaphore, #tpu.memory_space<semaphore_mem>>)
      %dma_wait3A_33 = arith.constant 0 : i32
      %dma_wait3A_34 = arith.constant 0 : i32
      %dma_wait3A_35 = tpu.memref_slice %arg3[%add3A, %dma_wait3A_33, %dma_wait3A_34] : memref<32x125x80xi32, #tpu.memory_space<hbm>> -> memref<1x125x80xi32, #tpu.memory_space<hbm>>
      %dma_wait3A_36 = tpu.memref_squeeze %dma_wait3A_35 : memref<1x125x80xi32, #tpu.memory_space<hbm>> -> memref<125x80xi32, #tpu.memory_space<hbm>>
      %dma_wait3A_37 = arith.constant 0 : i32
      %dma_wait3A_38 = arith.constant 0 : i32
      %dma_wait3A_39 = tpu.memref_slice %arg3[%add3A, %dma_wait3A_37, %dma_wait3A_38] : memref<32x125x80xi32, #tpu.memory_space<hbm>> -> memref<1x125x80xi32, #tpu.memory_space<hbm>>
      %dma_wait3A_40 = tpu.memref_squeeze %dma_wait3A_39 : memref<1x125x80xi32, #tpu.memory_space<hbm>> -> memref<125x80xi32, #tpu.memory_space<hbm>>
      tpu.wait_dma2 semaphore(%run_scoped3A_24 : memref<!tpu.dma_semaphore, #tpu.memory_space<semaphore_mem>>) src(%dma_wait3A_40 : memref<125x80xi32, #tpu.memory_space<hbm>>) dst(%arg6 : memref<125x80xi32, #tpu.memory_space<vmem>>)
      tpu.yield
    }) : () -> ()
    %barrier3A = arith.constant 0 : index
    tpu.barrier barrier_id(%barrier3A)
    %dma_start3A = arith.constant 0 : i32
    %dma_start3A_7 = tpu.memref_slice %arg2[%mul3A_2, %dma_start3A] : memref<320000x64xf32, #tpu.memory_space<hbm>> -> memref<80x64xf32, #tpu.memory_space<hbm>>
    %dma_start3A_8 = arith.constant 0 : i32
    %dma_start3A_9 = tpu.memref_slice %arg2[%mul3A_2, %dma_start3A_8] : memref<320000x64xf32, #tpu.memory_space<hbm>> -> memref<80x64xf32, #tpu.memory_space<hbm>>
    tpu.enqueue_dma source(%dma_start3A_9 : memref<80x64xf32, #tpu.memory_space<hbm>>) target(%arg7 : memref<80x64xf32, #tpu.memory_space<vmem>>) target_semaphore(%arg10 : memref<!tpu.dma_semaphore, #tpu.memory_space<semaphore_mem>>)
    %scan3A = arith.constant 0 : i32
    %scan3A_10 = arith.constant 124 : i32
    %scan3A_11 = arith.addi %scan3A, %scan3A_10 : i32
    %scan3A_12 = arith.constant 1 : i32
    scf.for %scan3A_24 = %scan3A to %scan3A_11 step %scan3A_12  : i32 {
      %rem3A = arith.constant 2 : i32
      %rem3A_25 = arith.remsi %scan3A_24, %rem3A : i32
      %eq3A = arith.constant 0 : i32
      %eq3A_26 = arith.cmpi eq, %rem3A_25, %eq3A : i32
      %convert_element_type3A = arith.extui %eq3A_26 : i1 to i32
      %cond3A = arith.constant 0 : i32
      %cond3A_27 = arith.cmpi ne, %convert_element_type3A, %cond3A : i32
      scf.if %cond3A_27 {
        %add3A_32 = arith.constant 1 : i32
        %add3A_33 = arith.addi %scan3A_24, %add3A_32 : i32
        %mul3A_34 = arith.constant 80 : i32
        %mul3A_35 = arith.muli %add3A_33, %mul3A_34 : i32
        %add3A_36 = arith.addi %mul3A_2, %mul3A_35 : i32
        %dma_start3A_37 = arith.constant 0 : i32
        %dma_start3A_38 = tpu.memref_slice %arg2[%add3A_36, %dma_start3A_37] : memref<320000x64xf32, #tpu.memory_space<hbm>> -> memref<80x64xf32, #tpu.memory_space<hbm>>
        %dma_start3A_39 = arith.constant 0 : i32
        %dma_start3A_40 = tpu.memref_slice %arg2[%add3A_36, %dma_start3A_39] : memref<320000x64xf32, #tpu.memory_space<hbm>> -> memref<80x64xf32, #tpu.memory_space<hbm>>
        tpu.enqueue_dma source(%dma_start3A_40 : memref<80x64xf32, #tpu.memory_space<hbm>>) target(%arg8 : memref<80x64xf32, #tpu.memory_space<vmem>>) target_semaphore(%arg11 : memref<!tpu.dma_semaphore, #tpu.memory_space<semaphore_mem>>)
        %mul3A_41 = arith.constant 80 : i32
        %mul3A_42 = arith.muli %scan3A_24, %mul3A_41 : i32
        %add3A_43 = arith.addi %mul3A_2, %mul3A_42 : i32
        %dma_wait3A_44 = arith.constant 0 : i32
        %dma_wait3A_45 = tpu.memref_slice %arg2[%add3A_43, %dma_wait3A_44] : memref<320000x64xf32, #tpu.memory_space<hbm>> -> memref<80x64xf32, #tpu.memory_space<hbm>>
        %dma_wait3A_46 = arith.constant 0 : i32
        %dma_wait3A_47 = tpu.memref_slice %arg2[%add3A_43, %dma_wait3A_46] : memref<320000x64xf32, #tpu.memory_space<hbm>> -> memref<80x64xf32, #tpu.memory_space<hbm>>
        tpu.wait_dma2 semaphore(%arg10 : memref<!tpu.dma_semaphore, #tpu.memory_space<semaphore_mem>>) src(%dma_wait3A_47 : memref<80x64xf32, #tpu.memory_space<hbm>>) dst(%arg7 : memref<80x64xf32, #tpu.memory_space<vmem>>)
        "tpu.region"() ({
          %run_scoped3A_48 = tpu.sem_alloc : memref<!tpu.dma_semaphore, #tpu.memory_space<semaphore_mem>>
          %dma_start3A_49 = arith.constant 0 : i32
          %dma_start3A_50 = tpu.memref_slice %arg6[%scan3A_24, %dma_start3A_49] : memref<125x80xi32, #tpu.memory_space<vmem>> -> memref<1x80xi32, #tpu.memory_space<vmem>>
          %dma_start3A_51 = tpu.memref_squeeze %dma_start3A_50 : memref<1x80xi32, #tpu.memory_space<vmem>> -> memref<80xi32, #tpu.memory_space<vmem>>
          %dma_start3A_52 = arith.constant 0 : i32
          %dma_start3A_53 = arith.constant 0 : i32
          %dma_start3A_54 = tpu.memref_slice %arg9[%dma_start3A_52, %dma_start3A_53] : memref<10240x64xf32, #tpu.memory_space<vmem_shared>> -> memref<10240x64xf32, #tpu.memory_space<vmem_shared>>
          tpu.enqueue_indirect_dma source(%arg7 : memref<80x64xf32, #tpu.memory_space<vmem>>) target(%dma_start3A_54 : memref<10240x64xf32, #tpu.memory_space<vmem_shared>>) offsets(%dma_start3A_51 : memref<80xi32, #tpu.memory_space<vmem>>) semaphore(%run_scoped3A_48 : memref<!tpu.dma_semaphore, #tpu.memory_space<semaphore_mem>>) {add = true}
          %dma_wait3A_55 = arith.constant 0 : i32
          %dma_wait3A_56 = tpu.memref_slice %arg6[%scan3A_24, %dma_wait3A_55] : memref<125x80xi32, #tpu.memory_space<vmem>> -> memref<1x80xi32, #tpu.memory_space<vmem>>
          %dma_wait3A_57 = tpu.memref_squeeze %dma_wait3A_56 : memref<1x80xi32, #tpu.memory_space<vmem>> -> memref<80xi32, #tpu.memory_space<vmem>>
          %dma_wait3A_58 = arith.constant 0 : i32
          %dma_wait3A_59 = arith.constant 0 : i32
          %dma_wait3A_60 = tpu.memref_slice %arg9[%dma_wait3A_58, %dma_wait3A_59] : memref<10240x64xf32, #tpu.memory_space<vmem_shared>> -> memref<10240x64xf32, #tpu.memory_space<vmem_shared>>
          tpu.wait_indirect_dma semaphore(%run_scoped3A_48 : memref<!tpu.dma_semaphore, #tpu.memory_space<semaphore_mem>>) src(%arg7 : memref<80x64xf32, #tpu.memory_space<vmem>>) dst(%dma_wait3A_60 : memref<10240x64xf32, #tpu.memory_space<vmem_shared>>)
          tpu.yield
        }) : () -> ()
      } else {
      }
      %not3A = arith.constant true
      %not3A_28 = arith.xori %eq3A_26, %not3A : i1
      %convert_element_type3A_29 = arith.extui %not3A_28 : i1 to i32
      %cond3A_30 = arith.constant 0 : i32
      %cond3A_31 = arith.cmpi ne, %convert_element_type3A_29, %cond3A_30 : i32
      scf.if %cond3A_31 {
        %add3A_32 = arith.constant 1 : i32
        %add3A_33 = arith.addi %scan3A_24, %add3A_32 : i32
        %mul3A_34 = arith.constant 80 : i32
        %mul3A_35 = arith.muli %add3A_33, %mul3A_34 : i32
        %add3A_36 = arith.addi %mul3A_2, %mul3A_35 : i32
        %dma_start3A_37 = arith.constant 0 : i32
        %dma_start3A_38 = tpu.memref_slice %arg2[%add3A_36, %dma_start3A_37] : memref<320000x64xf32, #tpu.memory_space<hbm>> -> memref<80x64xf32, #tpu.memory_space<hbm>>
        %dma_start3A_39 = arith.constant 0 : i32
        %dma_start3A_40 = tpu.memref_slice %arg2[%add3A_36, %dma_start3A_39] : memref<320000x64xf32, #tpu.memory_space<hbm>> -> memref<80x64xf32, #tpu.memory_space<hbm>>
        tpu.enqueue_dma source(%dma_start3A_40 : memref<80x64xf32, #tpu.memory_space<hbm>>) target(%arg7 : memref<80x64xf32, #tpu.memory_space<vmem>>) target_semaphore(%arg10 : memref<!tpu.dma_semaphore, #tpu.memory_space<semaphore_mem>>)
        %mul3A_41 = arith.constant 80 : i32
        %mul3A_42 = arith.muli %scan3A_24, %mul3A_41 : i32
        %add3A_43 = arith.addi %mul3A_2, %mul3A_42 : i32
        %dma_wait3A_44 = arith.constant 0 : i32
        %dma_wait3A_45 = tpu.memref_slice %arg2[%add3A_43, %dma_wait3A_44] : memref<320000x64xf32, #tpu.memory_space<hbm>> -> memref<80x64xf32, #tpu.memory_space<hbm>>
        %dma_wait3A_46 = arith.constant 0 : i32
        %dma_wait3A_47 = tpu.memref_slice %arg2[%add3A_43, %dma_wait3A_46] : memref<320000x64xf32, #tpu.memory_space<hbm>> -> memref<80x64xf32, #tpu.memory_space<hbm>>
        tpu.wait_dma2 semaphore(%arg11 : memref<!tpu.dma_semaphore, #tpu.memory_space<semaphore_mem>>) src(%dma_wait3A_47 : memref<80x64xf32, #tpu.memory_space<hbm>>) dst(%arg8 : memref<80x64xf32, #tpu.memory_space<vmem>>)
        "tpu.region"() ({
          %run_scoped3A_48 = tpu.sem_alloc : memref<!tpu.dma_semaphore, #tpu.memory_space<semaphore_mem>>
          %dma_start3A_49 = arith.constant 0 : i32
          %dma_start3A_50 = tpu.memref_slice %arg6[%scan3A_24, %dma_start3A_49] : memref<125x80xi32, #tpu.memory_space<vmem>> -> memref<1x80xi32, #tpu.memory_space<vmem>>
          %dma_start3A_51 = tpu.memref_squeeze %dma_start3A_50 : memref<1x80xi32, #tpu.memory_space<vmem>> -> memref<80xi32, #tpu.memory_space<vmem>>
          %dma_start3A_52 = arith.constant 0 : i32
          %dma_start3A_53 = arith.constant 0 : i32
          %dma_start3A_54 = tpu.memref_slice %arg9[%dma_start3A_52, %dma_start3A_53] : memref<10240x64xf32, #tpu.memory_space<vmem_shared>> -> memref<10240x64xf32, #tpu.memory_space<vmem_shared>>
          tpu.enqueue_indirect_dma source(%arg8 : memref<80x64xf32, #tpu.memory_space<vmem>>) target(%dma_start3A_54 : memref<10240x64xf32, #tpu.memory_space<vmem_shared>>) offsets(%dma_start3A_51 : memref<80xi32, #tpu.memory_space<vmem>>) semaphore(%run_scoped3A_48 : memref<!tpu.dma_semaphore, #tpu.memory_space<semaphore_mem>>) {add = true}
          %dma_wait3A_55 = arith.constant 0 : i32
          %dma_wait3A_56 = tpu.memref_slice %arg6[%scan3A_24, %dma_wait3A_55] : memref<125x80xi32, #tpu.memory_space<vmem>> -> memref<1x80xi32, #tpu.memory_space<vmem>>
          %dma_wait3A_57 = tpu.memref_squeeze %dma_wait3A_56 : memref<1x80xi32, #tpu.memory_space<vmem>> -> memref<80xi32, #tpu.memory_space<vmem>>
          %dma_wait3A_58 = arith.constant 0 : i32
          %dma_wait3A_59 = arith.constant 0 : i32
          %dma_wait3A_60 = tpu.memref_slice %arg9[%dma_wait3A_58, %dma_wait3A_59] : memref<10240x64xf32, #tpu.memory_space<vmem_shared>> -> memref<10240x64xf32, #tpu.memory_space<vmem_shared>>
          tpu.wait_indirect_dma semaphore(%run_scoped3A_48 : memref<!tpu.dma_semaphore, #tpu.memory_space<semaphore_mem>>) src(%arg8 : memref<80x64xf32, #tpu.memory_space<vmem>>) dst(%dma_wait3A_60 : memref<10240x64xf32, #tpu.memory_space<vmem_shared>>)
          tpu.yield
        }) : () -> ()
      } else {
      }
    }
    %scan3A_13 = arith.constant 124 : i32
    %add3A_14 = arith.constant 9920 : i32
    %add3A_15 = arith.addi %mul3A_2, %add3A_14 : i32
    %dma_wait3A = arith.constant 0 : i32
    %dma_wait3A_16 = tpu.memref_slice %arg2[%add3A_15, %dma_wait3A] : memref<320000x64xf32, #tpu.memory_space<hbm>> -> memref<80x64xf32, #tpu.memory_space<hbm>>
    %dma_wait3A_17 = arith.constant 0 : i32
    %dma_wait3A_18 = tpu.memref_slice %arg2[%add3A_15, %dma_wait3A_17] : memref<320000x64xf32, #tpu.memory_space<hbm>> -> memref<80x64xf32, #tpu.memory_space<hbm>>
    tpu.wait_dma2 semaphore(%arg10 : memref<!tpu.dma_semaphore, #tpu.memory_space<semaphore_mem>>) src(%dma_wait3A_18 : memref<80x64xf32, #tpu.memory_space<hbm>>) dst(%arg7 : memref<80x64xf32, #tpu.memory_space<vmem>>)
    %run_scoped3A = arith.constant 124 : i32
    "tpu.region"() ({
      %run_scoped3A_24 = tpu.sem_alloc : memref<!tpu.dma_semaphore, #tpu.memory_space<semaphore_mem>>
      %dma_start3A_25 = arith.constant 0 : i32
      %dma_start3A_26 = tpu.memref_slice %arg6[%run_scoped3A, %dma_start3A_25] : memref<125x80xi32, #tpu.memory_space<vmem>> -> memref<1x80xi32, #tpu.memory_space<vmem>>
      %dma_start3A_27 = tpu.memref_squeeze %dma_start3A_26 : memref<1x80xi32, #tpu.memory_space<vmem>> -> memref<80xi32, #tpu.memory_space<vmem>>
      %dma_start3A_28 = arith.constant 0 : i32
      %dma_start3A_29 = arith.constant 0 : i32
      %dma_start3A_30 = tpu.memref_slice %arg9[%dma_start3A_28, %dma_start3A_29] : memref<10240x64xf32, #tpu.memory_space<vmem_shared>> -> memref<10240x64xf32, #tpu.memory_space<vmem_shared>>
      tpu.enqueue_indirect_dma source(%arg7 : memref<80x64xf32, #tpu.memory_space<vmem>>) target(%dma_start3A_30 : memref<10240x64xf32, #tpu.memory_space<vmem_shared>>) offsets(%dma_start3A_27 : memref<80xi32, #tpu.memory_space<vmem>>) semaphore(%run_scoped3A_24 : memref<!tpu.dma_semaphore, #tpu.memory_space<semaphore_mem>>) {add = true}
      %dma_wait3A_31 = arith.constant 0 : i32
      %dma_wait3A_32 = tpu.memref_slice %arg6[%run_scoped3A, %dma_wait3A_31] : memref<125x80xi32, #tpu.memory_space<vmem>> -> memref<1x80xi32, #tpu.memory_space<vmem>>
      %dma_wait3A_33 = tpu.memref_squeeze %dma_wait3A_32 : memref<1x80xi32, #tpu.memory_space<vmem>> -> memref<80xi32, #tpu.memory_space<vmem>>
      %dma_wait3A_34 = arith.constant 0 : i32
      %dma_wait3A_35 = arith.constant 0 : i32
      %dma_wait3A_36 = tpu.memref_slice %arg9[%dma_wait3A_34, %dma_wait3A_35] : memref<10240x64xf32, #tpu.memory_space<vmem_shared>> -> memref<10240x64xf32, #tpu.memory_space<vmem_shared>>
      tpu.wait_indirect_dma semaphore(%run_scoped3A_24 : memref<!tpu.dma_semaphore, #tpu.memory_space<semaphore_mem>>) src(%arg7 : memref<80x64xf32, #tpu.memory_space<vmem>>) dst(%dma_wait3A_36 : memref<10240x64xf32, #tpu.memory_space<vmem_shared>>)
      tpu.yield
    }) : () -> ()
    %barrier3A_19 = arith.constant 0 : index
    tpu.barrier barrier_id(%barrier3A_19)
    %mul3A_20 = arith.constant 640 : i32
    %mul3A_21 = arith.muli %arg1, %mul3A_20 : i32
    %mul3A_22 = arith.constant 640 : i32
    %mul3A_23 = arith.muli %arg1, %mul3A_22 : i32
    "tpu.region"() ({
      %run_scoped3A_24 = tpu.sem_alloc : memref<!tpu.dma_semaphore, #tpu.memory_space<semaphore_mem>>
      %dma_start3A_25 = arith.constant 0 : i32
      %dma_start3A_26 = tpu.memref_slice %arg5[%arg0, %mul3A_23, %dma_start3A_25] : memref<2x10240x64xf32, #tpu.memory_space<hbm>> -> memref<1x640x64xf32, #tpu.memory_space<hbm>>
      %dma_start3A_27 = tpu.memref_squeeze %dma_start3A_26 : memref<1x640x64xf32, #tpu.memory_space<hbm>> -> memref<640x64xf32, #tpu.memory_space<hbm>>
      %dma_start3A_28 = arith.constant 0 : i32
      %dma_start3A_29 = tpu.memref_slice %arg9[%mul3A_21, %dma_start3A_28] : memref<10240x64xf32, #tpu.memory_space<vmem_shared>> -> memref<640x64xf32, #tpu.memory_space<vmem_shared>>
      tpu.enqueue_dma source(%dma_start3A_29 : memref<640x64xf32, #tpu.memory_space<vmem_shared>>) target(%dma_start3A_27 : memref<640x64xf32, #tpu.memory_space<hbm>>) target_semaphore(%run_scoped3A_24 : memref<!tpu.dma_semaphore, #tpu.memory_space<semaphore_mem>>)
      %dma_wait3A_30 = arith.constant 0 : i32
      %dma_wait3A_31 = tpu.memref_slice %arg5[%arg0, %mul3A_23, %dma_wait3A_30] : memref<2x10240x64xf32, #tpu.memory_space<hbm>> -> memref<1x640x64xf32, #tpu.memory_space<hbm>>
      %dma_wait3A_32 = tpu.memref_squeeze %dma_wait3A_31 : memref<1x640x64xf32, #tpu.memory_space<hbm>> -> memref<640x64xf32, #tpu.memory_space<hbm>>
      %dma_wait3A_33 = arith.constant 0 : i32
      %dma_wait3A_34 = tpu.memref_slice %arg9[%mul3A_21, %dma_wait3A_33] : memref<10240x64xf32, #tpu.memory_space<vmem_shared>> -> memref<640x64xf32, #tpu.memory_space<vmem_shared>>
      tpu.wait_dma2 semaphore(%run_scoped3A_24 : memref<!tpu.dma_semaphore, #tpu.memory_space<semaphore_mem>>) src(%dma_wait3A_34 : memref<640x64xf32, #tpu.memory_space<vmem_shared>>) dst(%dma_wait3A_32 : memref<640x64xf32, #tpu.memory_space<hbm>>)
      tpu.yield
    }) : () -> ()
    return
  }
}

#map = affine_map<(d0, d1) -> (0, 0)>
#map1 = affine_map<(d0, d1) -> (0, 0, 0)>
module attributes {stable_mosaic.version = 14 : i64} {
  func.func @_sc_gather_body(%arg0: i32, %arg1: i32, %arg2: memref<10000x64xf32, #tpu.memory_space<hbm>>, %arg3: memref<32x125x80xi32, #tpu.memory_space<hbm>>, %arg4: memref<320000x64xf32, #tpu.memory_space<hbm>>, %arg5: memref<125x80xi32, #tpu.memory_space<vmem>>, %arg6: memref<80x64xf32, #tpu.memory_space<vmem>>, %arg7: memref<80x64xf32, #tpu.memory_space<vmem>>, %arg8: memref<!tpu.dma_semaphore, #tpu.memory_space<semaphore_mem>>, %arg9: memref<!tpu.dma_semaphore, #tpu.memory_space<semaphore_mem>>) attributes {dimension_semantics = [#tpu.dimension_semantics<core_parallel>, #tpu.dimension_semantics<subcore_parallel>], iteration_bounds = array<i64: 2, 16>, scalar_prefetch = 0 : i64, scratch_operands = 5 : i64, tpu.core_type = #tpu.core_type<sc_vector_subcore>, window_params = [{transform_indices = #map}, {transform_indices = #map1}, {transform_indices = #map}]} {
    %mul3A = arith.constant 16 : i32
    %mul3A_0 = arith.muli %arg0, %mul3A : i32
    %add3A = arith.addi %mul3A_0, %arg1 : i32
    %mul3A_1 = arith.constant 10000 : i32
    %mul3A_2 = arith.muli %add3A, %mul3A_1 : i32
    "tpu.region"() ({
      %run_scoped3A = tpu.sem_alloc : memref<!tpu.dma_semaphore, #tpu.memory_space<semaphore_mem>>
      %dma_start3A_21 = arith.constant 0 : i32
      %dma_start3A_22 = arith.constant 0 : i32
      %dma_start3A_23 = tpu.memref_slice %arg3[%add3A, %dma_start3A_21, %dma_start3A_22] : memref<32x125x80xi32, #tpu.memory_space<hbm>> -> memref<1x125x80xi32, #tpu.memory_space<hbm>>
      %dma_start3A_24 = tpu.memref_squeeze %dma_start3A_23 : memref<1x125x80xi32, #tpu.memory_space<hbm>> -> memref<125x80xi32, #tpu.memory_space<hbm>>
      %dma_start3A_25 = arith.constant 0 : i32
      %dma_start3A_26 = arith.constant 0 : i32
      %dma_start3A_27 = tpu.memref_slice %arg3[%add3A, %dma_start3A_25, %dma_start3A_26] : memref<32x125x80xi32, #tpu.memory_space<hbm>> -> memref<1x125x80xi32, #tpu.memory_space<hbm>>
      %dma_start3A_28 = tpu.memref_squeeze %dma_start3A_27 : memref<1x125x80xi32, #tpu.memory_space<hbm>> -> memref<125x80xi32, #tpu.memory_space<hbm>>
      tpu.enqueue_dma source(%dma_start3A_28 : memref<125x80xi32, #tpu.memory_space<hbm>>) target(%arg5 : memref<125x80xi32, #tpu.memory_space<vmem>>) target_semaphore(%run_scoped3A : memref<!tpu.dma_semaphore, #tpu.memory_space<semaphore_mem>>)
      %dma_wait3A_29 = arith.constant 0 : i32
      %dma_wait3A_30 = arith.constant 0 : i32
      %dma_wait3A_31 = tpu.memref_slice %arg3[%add3A, %dma_wait3A_29, %dma_wait3A_30] : memref<32x125x80xi32, #tpu.memory_space<hbm>> -> memref<1x125x80xi32, #tpu.memory_space<hbm>>
      %dma_wait3A_32 = tpu.memref_squeeze %dma_wait3A_31 : memref<1x125x80xi32, #tpu.memory_space<hbm>> -> memref<125x80xi32, #tpu.memory_space<hbm>>
      %dma_wait3A_33 = arith.constant 0 : i32
      %dma_wait3A_34 = arith.constant 0 : i32
      %dma_wait3A_35 = tpu.memref_slice %arg3[%add3A, %dma_wait3A_33, %dma_wait3A_34] : memref<32x125x80xi32, #tpu.memory_space<hbm>> -> memref<1x125x80xi32, #tpu.memory_space<hbm>>
      %dma_wait3A_36 = tpu.memref_squeeze %dma_wait3A_35 : memref<1x125x80xi32, #tpu.memory_space<hbm>> -> memref<125x80xi32, #tpu.memory_space<hbm>>
      tpu.wait_dma2 semaphore(%run_scoped3A : memref<!tpu.dma_semaphore, #tpu.memory_space<semaphore_mem>>) src(%dma_wait3A_36 : memref<125x80xi32, #tpu.memory_space<hbm>>) dst(%arg5 : memref<125x80xi32, #tpu.memory_space<vmem>>)
      tpu.yield
    }) : () -> ()
    %dma_start3A = arith.constant 0 : i32
    %dma_start3A_3 = arith.constant 0 : i32
    %dma_start3A_4 = tpu.memref_slice %arg5[%dma_start3A, %dma_start3A_3] : memref<125x80xi32, #tpu.memory_space<vmem>> -> memref<1x80xi32, #tpu.memory_space<vmem>>
    %dma_start3A_5 = tpu.memref_squeeze %dma_start3A_4 : memref<1x80xi32, #tpu.memory_space<vmem>> -> memref<80xi32, #tpu.memory_space<vmem>>
    %dma_start3A_6 = arith.constant 0 : i32
    %dma_start3A_7 = arith.constant 0 : i32
    %dma_start3A_8 = tpu.memref_slice %arg2[%dma_start3A_6, %dma_start3A_7] : memref<10000x64xf32, #tpu.memory_space<hbm>> -> memref<10000x64xf32, #tpu.memory_space<hbm>>
    tpu.enqueue_indirect_dma source(%dma_start3A_8 : memref<10000x64xf32, #tpu.memory_space<hbm>>) target(%arg6 : memref<80x64xf32, #tpu.memory_space<vmem>>) offsets(%dma_start3A_5 : memref<80xi32, #tpu.memory_space<vmem>>) semaphore(%arg8 : memref<!tpu.dma_semaphore, #tpu.memory_space<semaphore_mem>>)
    %scan3A = arith.constant 0 : i32
    %scan3A_9 = arith.constant 124 : i32
    %scan3A_10 = arith.addi %scan3A, %scan3A_9 : i32
    %scan3A_11 = arith.constant 1 : i32
    scf.for %scan3A_21 = %scan3A to %scan3A_10 step %scan3A_11  : i32 {
      %rem3A = arith.constant 2 : i32
      %rem3A_22 = arith.remsi %scan3A_21, %rem3A : i32
      %eq3A = arith.constant 0 : i32
      %eq3A_23 = arith.cmpi eq, %rem3A_22, %eq3A : i32
      %convert_element_type3A = arith.extui %eq3A_23 : i1 to i32
      %cond3A = arith.constant 0 : i32
      %cond3A_24 = arith.cmpi ne, %convert_element_type3A, %cond3A : i32
      scf.if %cond3A_24 {
        %add3A_29 = arith.constant 1 : i32
        %add3A_30 = arith.addi %scan3A_21, %add3A_29 : i32
        %dma_start3A_31 = arith.constant 0 : i32
        %dma_start3A_32 = tpu.memref_slice %arg5[%add3A_30, %dma_start3A_31] : memref<125x80xi32, #tpu.memory_space<vmem>> -> memref<1x80xi32, #tpu.memory_space<vmem>>
        %dma_start3A_33 = tpu.memref_squeeze %dma_start3A_32 : memref<1x80xi32, #tpu.memory_space<vmem>> -> memref<80xi32, #tpu.memory_space<vmem>>
        %dma_start3A_34 = arith.constant 0 : i32
        %dma_start3A_35 = arith.constant 0 : i32
        %dma_start3A_36 = tpu.memref_slice %arg2[%dma_start3A_34, %dma_start3A_35] : memref<10000x64xf32, #tpu.memory_space<hbm>> -> memref<10000x64xf32, #tpu.memory_space<hbm>>
        tpu.enqueue_indirect_dma source(%dma_start3A_36 : memref<10000x64xf32, #tpu.memory_space<hbm>>) target(%arg7 : memref<80x64xf32, #tpu.memory_space<vmem>>) offsets(%dma_start3A_33 : memref<80xi32, #tpu.memory_space<vmem>>) semaphore(%arg9 : memref<!tpu.dma_semaphore, #tpu.memory_space<semaphore_mem>>)
        %dma_wait3A_37 = arith.constant 0 : i32
        %dma_wait3A_38 = tpu.memref_slice %arg5[%scan3A_21, %dma_wait3A_37] : memref<125x80xi32, #tpu.memory_space<vmem>> -> memref<1x80xi32, #tpu.memory_space<vmem>>
        %dma_wait3A_39 = tpu.memref_squeeze %dma_wait3A_38 : memref<1x80xi32, #tpu.memory_space<vmem>> -> memref<80xi32, #tpu.memory_space<vmem>>
        %dma_wait3A_40 = arith.constant 0 : i32
        %dma_wait3A_41 = arith.constant 0 : i32
        %dma_wait3A_42 = tpu.memref_slice %arg2[%dma_wait3A_40, %dma_wait3A_41] : memref<10000x64xf32, #tpu.memory_space<hbm>> -> memref<10000x64xf32, #tpu.memory_space<hbm>>
        tpu.wait_indirect_dma semaphore(%arg8 : memref<!tpu.dma_semaphore, #tpu.memory_space<semaphore_mem>>) src(%dma_wait3A_42 : memref<10000x64xf32, #tpu.memory_space<hbm>>) dst(%arg6 : memref<80x64xf32, #tpu.memory_space<vmem>>)
        %mul3A_43 = arith.constant 80 : i32
        %mul3A_44 = arith.muli %scan3A_21, %mul3A_43 : i32
        %add3A_45 = arith.addi %mul3A_2, %mul3A_44 : i32
        "tpu.region"() ({
          %run_scoped3A = tpu.sem_alloc : memref<!tpu.dma_semaphore, #tpu.memory_space<semaphore_mem>>
          %dma_start3A_46 = arith.constant 0 : i32
          %dma_start3A_47 = tpu.memref_slice %arg4[%add3A_45, %dma_start3A_46] : memref<320000x64xf32, #tpu.memory_space<hbm>> -> memref<80x64xf32, #tpu.memory_space<hbm>>
          %dma_start3A_48 = arith.constant 0 : i32
          %dma_start3A_49 = tpu.memref_slice %arg4[%add3A_45, %dma_start3A_48] : memref<320000x64xf32, #tpu.memory_space<hbm>> -> memref<80x64xf32, #tpu.memory_space<hbm>>
          tpu.enqueue_dma source(%arg6 : memref<80x64xf32, #tpu.memory_space<vmem>>) target(%dma_start3A_49 : memref<80x64xf32, #tpu.memory_space<hbm>>) target_semaphore(%run_scoped3A : memref<!tpu.dma_semaphore, #tpu.memory_space<semaphore_mem>>)
          %dma_wait3A_50 = arith.constant 0 : i32
          %dma_wait3A_51 = tpu.memref_slice %arg4[%add3A_45, %dma_wait3A_50] : memref<320000x64xf32, #tpu.memory_space<hbm>> -> memref<80x64xf32, #tpu.memory_space<hbm>>
          %dma_wait3A_52 = arith.constant 0 : i32
          %dma_wait3A_53 = tpu.memref_slice %arg4[%add3A_45, %dma_wait3A_52] : memref<320000x64xf32, #tpu.memory_space<hbm>> -> memref<80x64xf32, #tpu.memory_space<hbm>>
          tpu.wait_dma2 semaphore(%run_scoped3A : memref<!tpu.dma_semaphore, #tpu.memory_space<semaphore_mem>>) src(%arg6 : memref<80x64xf32, #tpu.memory_space<vmem>>) dst(%dma_wait3A_53 : memref<80x64xf32, #tpu.memory_space<hbm>>)
          tpu.yield
        }) : () -> ()
      } else {
      }
      %not3A = arith.constant true
      %not3A_25 = arith.xori %eq3A_23, %not3A : i1
      %convert_element_type3A_26 = arith.extui %not3A_25 : i1 to i32
      %cond3A_27 = arith.constant 0 : i32
      %cond3A_28 = arith.cmpi ne, %convert_element_type3A_26, %cond3A_27 : i32
      scf.if %cond3A_28 {
        %add3A_29 = arith.constant 1 : i32
        %add3A_30 = arith.addi %scan3A_21, %add3A_29 : i32
        %dma_start3A_31 = arith.constant 0 : i32
        %dma_start3A_32 = tpu.memref_slice %arg5[%add3A_30, %dma_start3A_31] : memref<125x80xi32, #tpu.memory_space<vmem>> -> memref<1x80xi32, #tpu.memory_space<vmem>>
        %dma_start3A_33 = tpu.memref_squeeze %dma_start3A_32 : memref<1x80xi32, #tpu.memory_space<vmem>> -> memref<80xi32, #tpu.memory_space<vmem>>
        %dma_start3A_34 = arith.constant 0 : i32
        %dma_start3A_35 = arith.constant 0 : i32
        %dma_start3A_36 = tpu.memref_slice %arg2[%dma_start3A_34, %dma_start3A_35] : memref<10000x64xf32, #tpu.memory_space<hbm>> -> memref<10000x64xf32, #tpu.memory_space<hbm>>
        tpu.enqueue_indirect_dma source(%dma_start3A_36 : memref<10000x64xf32, #tpu.memory_space<hbm>>) target(%arg6 : memref<80x64xf32, #tpu.memory_space<vmem>>) offsets(%dma_start3A_33 : memref<80xi32, #tpu.memory_space<vmem>>) semaphore(%arg8 : memref<!tpu.dma_semaphore, #tpu.memory_space<semaphore_mem>>)
        %dma_wait3A_37 = arith.constant 0 : i32
        %dma_wait3A_38 = tpu.memref_slice %arg5[%scan3A_21, %dma_wait3A_37] : memref<125x80xi32, #tpu.memory_space<vmem>> -> memref<1x80xi32, #tpu.memory_space<vmem>>
        %dma_wait3A_39 = tpu.memref_squeeze %dma_wait3A_38 : memref<1x80xi32, #tpu.memory_space<vmem>> -> memref<80xi32, #tpu.memory_space<vmem>>
        %dma_wait3A_40 = arith.constant 0 : i32
        %dma_wait3A_41 = arith.constant 0 : i32
        %dma_wait3A_42 = tpu.memref_slice %arg2[%dma_wait3A_40, %dma_wait3A_41] : memref<10000x64xf32, #tpu.memory_space<hbm>> -> memref<10000x64xf32, #tpu.memory_space<hbm>>
        tpu.wait_indirect_dma semaphore(%arg9 : memref<!tpu.dma_semaphore, #tpu.memory_space<semaphore_mem>>) src(%dma_wait3A_42 : memref<10000x64xf32, #tpu.memory_space<hbm>>) dst(%arg7 : memref<80x64xf32, #tpu.memory_space<vmem>>)
        %mul3A_43 = arith.constant 80 : i32
        %mul3A_44 = arith.muli %scan3A_21, %mul3A_43 : i32
        %add3A_45 = arith.addi %mul3A_2, %mul3A_44 : i32
        "tpu.region"() ({
          %run_scoped3A = tpu.sem_alloc : memref<!tpu.dma_semaphore, #tpu.memory_space<semaphore_mem>>
          %dma_start3A_46 = arith.constant 0 : i32
          %dma_start3A_47 = tpu.memref_slice %arg4[%add3A_45, %dma_start3A_46] : memref<320000x64xf32, #tpu.memory_space<hbm>> -> memref<80x64xf32, #tpu.memory_space<hbm>>
          %dma_start3A_48 = arith.constant 0 : i32
          %dma_start3A_49 = tpu.memref_slice %arg4[%add3A_45, %dma_start3A_48] : memref<320000x64xf32, #tpu.memory_space<hbm>> -> memref<80x64xf32, #tpu.memory_space<hbm>>
          tpu.enqueue_dma source(%arg7 : memref<80x64xf32, #tpu.memory_space<vmem>>) target(%dma_start3A_49 : memref<80x64xf32, #tpu.memory_space<hbm>>) target_semaphore(%run_scoped3A : memref<!tpu.dma_semaphore, #tpu.memory_space<semaphore_mem>>)
          %dma_wait3A_50 = arith.constant 0 : i32
          %dma_wait3A_51 = tpu.memref_slice %arg4[%add3A_45, %dma_wait3A_50] : memref<320000x64xf32, #tpu.memory_space<hbm>> -> memref<80x64xf32, #tpu.memory_space<hbm>>
          %dma_wait3A_52 = arith.constant 0 : i32
          %dma_wait3A_53 = tpu.memref_slice %arg4[%add3A_45, %dma_wait3A_52] : memref<320000x64xf32, #tpu.memory_space<hbm>> -> memref<80x64xf32, #tpu.memory_space<hbm>>
          tpu.wait_dma2 semaphore(%run_scoped3A : memref<!tpu.dma_semaphore, #tpu.memory_space<semaphore_mem>>) src(%arg7 : memref<80x64xf32, #tpu.memory_space<vmem>>) dst(%dma_wait3A_53 : memref<80x64xf32, #tpu.memory_space<hbm>>)
          tpu.yield
        }) : () -> ()
      } else {
      }
    }
    %scan3A_12 = arith.constant 124 : i32
    %dma_wait3A = arith.constant 124 : i32
    %dma_wait3A_13 = arith.constant 0 : i32
    %dma_wait3A_14 = tpu.memref_slice %arg5[%dma_wait3A, %dma_wait3A_13] : memref<125x80xi32, #tpu.memory_space<vmem>> -> memref<1x80xi32, #tpu.memory_space<vmem>>
    %dma_wait3A_15 = tpu.memref_squeeze %dma_wait3A_14 : memref<1x80xi32, #tpu.memory_space<vmem>> -> memref<80xi32, #tpu.memory_space<vmem>>
    %dma_wait3A_16 = arith.constant 0 : i32
    %dma_wait3A_17 = arith.constant 0 : i32
    %dma_wait3A_18 = tpu.memref_slice %arg2[%dma_wait3A_16, %dma_wait3A_17] : memref<10000x64xf32, #tpu.memory_space<hbm>> -> memref<10000x64xf32, #tpu.memory_space<hbm>>
    tpu.wait_indirect_dma semaphore(%arg8 : memref<!tpu.dma_semaphore, #tpu.memory_space<semaphore_mem>>) src(%dma_wait3A_18 : memref<10000x64xf32, #tpu.memory_space<hbm>>) dst(%arg6 : memref<80x64xf32, #tpu.memory_space<vmem>>)
    %add3A_19 = arith.constant 9920 : i32
    %add3A_20 = arith.addi %mul3A_2, %add3A_19 : i32
    "tpu.region"() ({
      %run_scoped3A = tpu.sem_alloc : memref<!tpu.dma_semaphore, #tpu.memory_space<semaphore_mem>>
      %dma_start3A_21 = arith.constant 0 : i32
      %dma_start3A_22 = tpu.memref_slice %arg4[%add3A_20, %dma_start3A_21] : memref<320000x64xf32, #tpu.memory_space<hbm>> -> memref<80x64xf32, #tpu.memory_space<hbm>>
      %dma_start3A_23 = arith.constant 0 : i32
      %dma_start3A_24 = tpu.memref_slice %arg4[%add3A_20, %dma_start3A_23] : memref<320000x64xf32, #tpu.memory_space<hbm>> -> memref<80x64xf32, #tpu.memory_space<hbm>>
      tpu.enqueue_dma source(%arg6 : memref<80x64xf32, #tpu.memory_space<vmem>>) target(%dma_start3A_24 : memref<80x64xf32, #tpu.memory_space<hbm>>) target_semaphore(%run_scoped3A : memref<!tpu.dma_semaphore, #tpu.memory_space<semaphore_mem>>)
      %dma_wait3A_25 = arith.constant 0 : i32
      %dma_wait3A_26 = tpu.memref_slice %arg4[%add3A_20, %dma_wait3A_25] : memref<320000x64xf32, #tpu.memory_space<hbm>> -> memref<80x64xf32, #tpu.memory_space<hbm>>
      %dma_wait3A_27 = arith.constant 0 : i32
      %dma_wait3A_28 = tpu.memref_slice %arg4[%add3A_20, %dma_wait3A_27] : memref<320000x64xf32, #tpu.memory_space<hbm>> -> memref<80x64xf32, #tpu.memory_space<hbm>>
      tpu.wait_dma2 semaphore(%run_scoped3A : memref<!tpu.dma_semaphore, #tpu.memory_space<semaphore_mem>>) src(%arg6 : memref<80x64xf32, #tpu.memory_space<vmem>>) dst(%dma_wait3A_28 : memref<80x64xf32, #tpu.memory_space<hbm>>)
      tpu.yield
    }) : () -> ()
    return
  }
}

#map = affine_map<(d0, d1) -> (0, 0)>
#map1 = affine_map<(d0, d1) -> (0, 0, 0)>
module attributes {stable_mosaic.version = 14 : i64} {
  func.func @_sc_gather_body(%arg0: i32, %arg1: i32, %arg2: memref<10000x64xf32, #tpu.memory_space<hbm>>, %arg3: memref<32x125x80xi32, #tpu.memory_space<hbm>>, %arg4: memref<320000x64xf32, #tpu.memory_space<hbm>>, %arg5: memref<125x80xi32, #tpu.memory_space<vmem>>, %arg6: memref<80x64xf32, #tpu.memory_space<vmem>>, %arg7: memref<80x64xf32, #tpu.memory_space<vmem>>, %arg8: memref<!tpu.dma_semaphore, #tpu.memory_space<semaphore_mem>>, %arg9: memref<!tpu.dma_semaphore, #tpu.memory_space<semaphore_mem>>) attributes {dimension_semantics = [#tpu.dimension_semantics<core_parallel>, #tpu.dimension_semantics<subcore_parallel>], iteration_bounds = array<i64: 2, 16>, scalar_prefetch = 0 : i64, scratch_operands = 5 : i64, tpu.core_type = #tpu.core_type<sc_vector_subcore>, window_params = [{transform_indices = #map}, {transform_indices = #map1}, {transform_indices = #map}]} {
    %mul3A = arith.constant 16 : i32
    %mul3A_0 = arith.muli %arg0, %mul3A : i32
    %add3A = arith.addi %mul3A_0, %arg1 : i32
    %mul3A_1 = arith.constant 10000 : i32
    %mul3A_2 = arith.muli %add3A, %mul3A_1 : i32
    "tpu.region"() ({
      %run_scoped3A = tpu.sem_alloc : memref<!tpu.dma_semaphore, #tpu.memory_space<semaphore_mem>>
      %dma_start3A_21 = arith.constant 0 : i32
      %dma_start3A_22 = arith.constant 0 : i32
      %dma_start3A_23 = tpu.memref_slice %arg3[%add3A, %dma_start3A_21, %dma_start3A_22] : memref<32x125x80xi32, #tpu.memory_space<hbm>> -> memref<1x125x80xi32, #tpu.memory_space<hbm>>
      %dma_start3A_24 = tpu.memref_squeeze %dma_start3A_23 : memref<1x125x80xi32, #tpu.memory_space<hbm>> -> memref<125x80xi32, #tpu.memory_space<hbm>>
      %dma_start3A_25 = arith.constant 0 : i32
      %dma_start3A_26 = arith.constant 0 : i32
      %dma_start3A_27 = tpu.memref_slice %arg3[%add3A, %dma_start3A_25, %dma_start3A_26] : memref<32x125x80xi32, #tpu.memory_space<hbm>> -> memref<1x125x80xi32, #tpu.memory_space<hbm>>
      %dma_start3A_28 = tpu.memref_squeeze %dma_start3A_27 : memref<1x125x80xi32, #tpu.memory_space<hbm>> -> memref<125x80xi32, #tpu.memory_space<hbm>>
      tpu.enqueue_dma source(%dma_start3A_28 : memref<125x80xi32, #tpu.memory_space<hbm>>) target(%arg5 : memref<125x80xi32, #tpu.memory_space<vmem>>) target_semaphore(%run_scoped3A : memref<!tpu.dma_semaphore, #tpu.memory_space<semaphore_mem>>)
      %dma_wait3A_29 = arith.constant 0 : i32
      %dma_wait3A_30 = arith.constant 0 : i32
      %dma_wait3A_31 = tpu.memref_slice %arg3[%add3A, %dma_wait3A_29, %dma_wait3A_30] : memref<32x125x80xi32, #tpu.memory_space<hbm>> -> memref<1x125x80xi32, #tpu.memory_space<hbm>>
      %dma_wait3A_32 = tpu.memref_squeeze %dma_wait3A_31 : memref<1x125x80xi32, #tpu.memory_space<hbm>> -> memref<125x80xi32, #tpu.memory_space<hbm>>
      %dma_wait3A_33 = arith.constant 0 : i32
      %dma_wait3A_34 = arith.constant 0 : i32
      %dma_wait3A_35 = tpu.memref_slice %arg3[%add3A, %dma_wait3A_33, %dma_wait3A_34] : memref<32x125x80xi32, #tpu.memory_space<hbm>> -> memref<1x125x80xi32, #tpu.memory_space<hbm>>
      %dma_wait3A_36 = tpu.memref_squeeze %dma_wait3A_35 : memref<1x125x80xi32, #tpu.memory_space<hbm>> -> memref<125x80xi32, #tpu.memory_space<hbm>>
      tpu.wait_dma2 semaphore(%run_scoped3A : memref<!tpu.dma_semaphore, #tpu.memory_space<semaphore_mem>>) src(%dma_wait3A_36 : memref<125x80xi32, #tpu.memory_space<hbm>>) dst(%arg5 : memref<125x80xi32, #tpu.memory_space<vmem>>)
      tpu.yield
    }) : () -> ()
    %dma_start3A = arith.constant 0 : i32
    %dma_start3A_3 = arith.constant 0 : i32
    %dma_start3A_4 = tpu.memref_slice %arg5[%dma_start3A, %dma_start3A_3] : memref<125x80xi32, #tpu.memory_space<vmem>> -> memref<1x80xi32, #tpu.memory_space<vmem>>
    %dma_start3A_5 = tpu.memref_squeeze %dma_start3A_4 : memref<1x80xi32, #tpu.memory_space<vmem>> -> memref<80xi32, #tpu.memory_space<vmem>>
    %dma_start3A_6 = arith.constant 0 : i32
    %dma_start3A_7 = arith.constant 0 : i32
    %dma_start3A_8 = tpu.memref_slice %arg2[%dma_start3A_6, %dma_start3A_7] : memref<10000x64xf32, #tpu.memory_space<hbm>> -> memref<10000x64xf32, #tpu.memory_space<hbm>>
    tpu.enqueue_indirect_dma source(%dma_start3A_8 : memref<10000x64xf32, #tpu.memory_space<hbm>>) target(%arg6 : memref<80x64xf32, #tpu.memory_space<vmem>>) offsets(%dma_start3A_5 : memref<80xi32, #tpu.memory_space<vmem>>) semaphore(%arg8 : memref<!tpu.dma_semaphore, #tpu.memory_space<semaphore_mem>>)
    %scan3A = arith.constant 0 : i32
    %scan3A_9 = arith.constant 124 : i32
    %scan3A_10 = arith.addi %scan3A, %scan3A_9 : i32
    %scan3A_11 = arith.constant 1 : i32
    scf.for %scan3A_21 = %scan3A to %scan3A_10 step %scan3A_11  : i32 {
      %rem3A = arith.constant 2 : i32
      %rem3A_22 = arith.remsi %scan3A_21, %rem3A : i32
      %eq3A = arith.constant 0 : i32
      %eq3A_23 = arith.cmpi eq, %rem3A_22, %eq3A : i32
      %convert_element_type3A = arith.extui %eq3A_23 : i1 to i32
      %cond3A = arith.constant 0 : i32
      %cond3A_24 = arith.cmpi ne, %convert_element_type3A, %cond3A : i32
      scf.if %cond3A_24 {
        %add3A_29 = arith.constant 1 : i32
        %add3A_30 = arith.addi %scan3A_21, %add3A_29 : i32
        %dma_start3A_31 = arith.constant 0 : i32
        %dma_start3A_32 = tpu.memref_slice %arg5[%add3A_30, %dma_start3A_31] : memref<125x80xi32, #tpu.memory_space<vmem>> -> memref<1x80xi32, #tpu.memory_space<vmem>>
        %dma_start3A_33 = tpu.memref_squeeze %dma_start3A_32 : memref<1x80xi32, #tpu.memory_space<vmem>> -> memref<80xi32, #tpu.memory_space<vmem>>
        %dma_start3A_34 = arith.constant 0 : i32
        %dma_start3A_35 = arith.constant 0 : i32
        %dma_start3A_36 = tpu.memref_slice %arg2[%dma_start3A_34, %dma_start3A_35] : memref<10000x64xf32, #tpu.memory_space<hbm>> -> memref<10000x64xf32, #tpu.memory_space<hbm>>
        tpu.enqueue_indirect_dma source(%dma_start3A_36 : memref<10000x64xf32, #tpu.memory_space<hbm>>) target(%arg7 : memref<80x64xf32, #tpu.memory_space<vmem>>) offsets(%dma_start3A_33 : memref<80xi32, #tpu.memory_space<vmem>>) semaphore(%arg9 : memref<!tpu.dma_semaphore, #tpu.memory_space<semaphore_mem>>)
        %dma_wait3A_37 = arith.constant 0 : i32
        %dma_wait3A_38 = tpu.memref_slice %arg5[%scan3A_21, %dma_wait3A_37] : memref<125x80xi32, #tpu.memory_space<vmem>> -> memref<1x80xi32, #tpu.memory_space<vmem>>
        %dma_wait3A_39 = tpu.memref_squeeze %dma_wait3A_38 : memref<1x80xi32, #tpu.memory_space<vmem>> -> memref<80xi32, #tpu.memory_space<vmem>>
        %dma_wait3A_40 = arith.constant 0 : i32
        %dma_wait3A_41 = arith.constant 0 : i32
        %dma_wait3A_42 = tpu.memref_slice %arg2[%dma_wait3A_40, %dma_wait3A_41] : memref<10000x64xf32, #tpu.memory_space<hbm>> -> memref<10000x64xf32, #tpu.memory_space<hbm>>
        tpu.wait_indirect_dma semaphore(%arg8 : memref<!tpu.dma_semaphore, #tpu.memory_space<semaphore_mem>>) src(%dma_wait3A_42 : memref<10000x64xf32, #tpu.memory_space<hbm>>) dst(%arg6 : memref<80x64xf32, #tpu.memory_space<vmem>>)
        %mul3A_43 = arith.constant 80 : i32
        %mul3A_44 = arith.muli %scan3A_21, %mul3A_43 : i32
        %add3A_45 = arith.addi %mul3A_2, %mul3A_44 : i32
        "tpu.region"() ({
          %run_scoped3A = tpu.sem_alloc : memref<!tpu.dma_semaphore, #tpu.memory_space<semaphore_mem>>
          %dma_start3A_46 = arith.constant 0 : i32
          %dma_start3A_47 = tpu.memref_slice %arg4[%add3A_45, %dma_start3A_46] : memref<320000x64xf32, #tpu.memory_space<hbm>> -> memref<80x64xf32, #tpu.memory_space<hbm>>
          %dma_start3A_48 = arith.constant 0 : i32
          %dma_start3A_49 = tpu.memref_slice %arg4[%add3A_45, %dma_start3A_48] : memref<320000x64xf32, #tpu.memory_space<hbm>> -> memref<80x64xf32, #tpu.memory_space<hbm>>
          tpu.enqueue_dma source(%arg6 : memref<80x64xf32, #tpu.memory_space<vmem>>) target(%dma_start3A_49 : memref<80x64xf32, #tpu.memory_space<hbm>>) target_semaphore(%run_scoped3A : memref<!tpu.dma_semaphore, #tpu.memory_space<semaphore_mem>>)
          %dma_wait3A_50 = arith.constant 0 : i32
          %dma_wait3A_51 = tpu.memref_slice %arg4[%add3A_45, %dma_wait3A_50] : memref<320000x64xf32, #tpu.memory_space<hbm>> -> memref<80x64xf32, #tpu.memory_space<hbm>>
          %dma_wait3A_52 = arith.constant 0 : i32
          %dma_wait3A_53 = tpu.memref_slice %arg4[%add3A_45, %dma_wait3A_52] : memref<320000x64xf32, #tpu.memory_space<hbm>> -> memref<80x64xf32, #tpu.memory_space<hbm>>
          tpu.wait_dma2 semaphore(%run_scoped3A : memref<!tpu.dma_semaphore, #tpu.memory_space<semaphore_mem>>) src(%arg6 : memref<80x64xf32, #tpu.memory_space<vmem>>) dst(%dma_wait3A_53 : memref<80x64xf32, #tpu.memory_space<hbm>>)
          tpu.yield
        }) : () -> ()
      } else {
      }
      %not3A = arith.constant true
      %not3A_25 = arith.xori %eq3A_23, %not3A : i1
      %convert_element_type3A_26 = arith.extui %not3A_25 : i1 to i32
      %cond3A_27 = arith.constant 0 : i32
      %cond3A_28 = arith.cmpi ne, %convert_element_type3A_26, %cond3A_27 : i32
      scf.if %cond3A_28 {
        %add3A_29 = arith.constant 1 : i32
        %add3A_30 = arith.addi %scan3A_21, %add3A_29 : i32
        %dma_start3A_31 = arith.constant 0 : i32
        %dma_start3A_32 = tpu.memref_slice %arg5[%add3A_30, %dma_start3A_31] : memref<125x80xi32, #tpu.memory_space<vmem>> -> memref<1x80xi32, #tpu.memory_space<vmem>>
        %dma_start3A_33 = tpu.memref_squeeze %dma_start3A_32 : memref<1x80xi32, #tpu.memory_space<vmem>> -> memref<80xi32, #tpu.memory_space<vmem>>
        %dma_start3A_34 = arith.constant 0 : i32
        %dma_start3A_35 = arith.constant 0 : i32
        %dma_start3A_36 = tpu.memref_slice %arg2[%dma_start3A_34, %dma_start3A_35] : memref<10000x64xf32, #tpu.memory_space<hbm>> -> memref<10000x64xf32, #tpu.memory_space<hbm>>
        tpu.enqueue_indirect_dma source(%dma_start3A_36 : memref<10000x64xf32, #tpu.memory_space<hbm>>) target(%arg6 : memref<80x64xf32, #tpu.memory_space<vmem>>) offsets(%dma_start3A_33 : memref<80xi32, #tpu.memory_space<vmem>>) semaphore(%arg8 : memref<!tpu.dma_semaphore, #tpu.memory_space<semaphore_mem>>)
        %dma_wait3A_37 = arith.constant 0 : i32
        %dma_wait3A_38 = tpu.memref_slice %arg5[%scan3A_21, %dma_wait3A_37] : memref<125x80xi32, #tpu.memory_space<vmem>> -> memref<1x80xi32, #tpu.memory_space<vmem>>
        %dma_wait3A_39 = tpu.memref_squeeze %dma_wait3A_38 : memref<1x80xi32, #tpu.memory_space<vmem>> -> memref<80xi32, #tpu.memory_space<vmem>>
        %dma_wait3A_40 = arith.constant 0 : i32
        %dma_wait3A_41 = arith.constant 0 : i32
        %dma_wait3A_42 = tpu.memref_slice %arg2[%dma_wait3A_40, %dma_wait3A_41] : memref<10000x64xf32, #tpu.memory_space<hbm>> -> memref<10000x64xf32, #tpu.memory_space<hbm>>
        tpu.wait_indirect_dma semaphore(%arg9 : memref<!tpu.dma_semaphore, #tpu.memory_space<semaphore_mem>>) src(%dma_wait3A_42 : memref<10000x64xf32, #tpu.memory_space<hbm>>) dst(%arg7 : memref<80x64xf32, #tpu.memory_space<vmem>>)
        %mul3A_43 = arith.constant 80 : i32
        %mul3A_44 = arith.muli %scan3A_21, %mul3A_43 : i32
        %add3A_45 = arith.addi %mul3A_2, %mul3A_44 : i32
        "tpu.region"() ({
          %run_scoped3A = tpu.sem_alloc : memref<!tpu.dma_semaphore, #tpu.memory_space<semaphore_mem>>
          %dma_start3A_46 = arith.constant 0 : i32
          %dma_start3A_47 = tpu.memref_slice %arg4[%add3A_45, %dma_start3A_46] : memref<320000x64xf32, #tpu.memory_space<hbm>> -> memref<80x64xf32, #tpu.memory_space<hbm>>
          %dma_start3A_48 = arith.constant 0 : i32
          %dma_start3A_49 = tpu.memref_slice %arg4[%add3A_45, %dma_start3A_48] : memref<320000x64xf32, #tpu.memory_space<hbm>> -> memref<80x64xf32, #tpu.memory_space<hbm>>
          tpu.enqueue_dma source(%arg7 : memref<80x64xf32, #tpu.memory_space<vmem>>) target(%dma_start3A_49 : memref<80x64xf32, #tpu.memory_space<hbm>>) target_semaphore(%run_scoped3A : memref<!tpu.dma_semaphore, #tpu.memory_space<semaphore_mem>>)
          %dma_wait3A_50 = arith.constant 0 : i32
          %dma_wait3A_51 = tpu.memref_slice %arg4[%add3A_45, %dma_wait3A_50] : memref<320000x64xf32, #tpu.memory_space<hbm>> -> memref<80x64xf32, #tpu.memory_space<hbm>>
          %dma_wait3A_52 = arith.constant 0 : i32
          %dma_wait3A_53 = tpu.memref_slice %arg4[%add3A_45, %dma_wait3A_52] : memref<320000x64xf32, #tpu.memory_space<hbm>> -> memref<80x64xf32, #tpu.memory_space<hbm>>
          tpu.wait_dma2 semaphore(%run_scoped3A : memref<!tpu.dma_semaphore, #tpu.memory_space<semaphore_mem>>) src(%arg7 : memref<80x64xf32, #tpu.memory_space<vmem>>) dst(%dma_wait3A_53 : memref<80x64xf32, #tpu.memory_space<hbm>>)
          tpu.yield
        }) : () -> ()
      } else {
      }
    }
    %scan3A_12 = arith.constant 124 : i32
    %dma_wait3A = arith.constant 124 : i32
    %dma_wait3A_13 = arith.constant 0 : i32
    %dma_wait3A_14 = tpu.memref_slice %arg5[%dma_wait3A, %dma_wait3A_13] : memref<125x80xi32, #tpu.memory_space<vmem>> -> memref<1x80xi32, #tpu.memory_space<vmem>>
    %dma_wait3A_15 = tpu.memref_squeeze %dma_wait3A_14 : memref<1x80xi32, #tpu.memory_space<vmem>> -> memref<80xi32, #tpu.memory_space<vmem>>
    %dma_wait3A_16 = arith.constant 0 : i32
    %dma_wait3A_17 = arith.constant 0 : i32
    %dma_wait3A_18 = tpu.memref_slice %arg2[%dma_wait3A_16, %dma_wait3A_17] : memref<10000x64xf32, #tpu.memory_space<hbm>> -> memref<10000x64xf32, #tpu.memory_space<hbm>>
    tpu.wait_indirect_dma semaphore(%arg8 : memref<!tpu.dma_semaphore, #tpu.memory_space<semaphore_mem>>) src(%dma_wait3A_18 : memref<10000x64xf32, #tpu.memory_space<hbm>>) dst(%arg6 : memref<80x64xf32, #tpu.memory_space<vmem>>)
    %add3A_19 = arith.constant 9920 : i32
    %add3A_20 = arith.addi %mul3A_2, %add3A_19 : i32
    "tpu.region"() ({
      %run_scoped3A = tpu.sem_alloc : memref<!tpu.dma_semaphore, #tpu.memory_space<semaphore_mem>>
      %dma_start3A_21 = arith.constant 0 : i32
      %dma_start3A_22 = tpu.memref_slice %arg4[%add3A_20, %dma_start3A_21] : memref<320000x64xf32, #tpu.memory_space<hbm>> -> memref<80x64xf32, #tpu.memory_space<hbm>>
      %dma_start3A_23 = arith.constant 0 : i32
      %dma_start3A_24 = tpu.memref_slice %arg4[%add3A_20, %dma_start3A_23] : memref<320000x64xf32, #tpu.memory_space<hbm>> -> memref<80x64xf32, #tpu.memory_space<hbm>>
      tpu.enqueue_dma source(%arg6 : memref<80x64xf32, #tpu.memory_space<vmem>>) target(%dma_start3A_24 : memref<80x64xf32, #tpu.memory_space<hbm>>) target_semaphore(%run_scoped3A : memref<!tpu.dma_semaphore, #tpu.memory_space<semaphore_mem>>)
      %dma_wait3A_25 = arith.constant 0 : i32
      %dma_wait3A_26 = tpu.memref_slice %arg4[%add3A_20, %dma_wait3A_25] : memref<320000x64xf32, #tpu.memory_space<hbm>> -> memref<80x64xf32, #tpu.memory_space<hbm>>
      %dma_wait3A_27 = arith.constant 0 : i32
      %dma_wait3A_28 = tpu.memref_slice %arg4[%add3A_20, %dma_wait3A_27] : memref<320000x64xf32, #tpu.memory_space<hbm>> -> memref<80x64xf32, #tpu.memory_space<hbm>>
      tpu.wait_dma2 semaphore(%run_scoped3A : memref<!tpu.dma_semaphore, #tpu.memory_space<semaphore_mem>>) src(%arg6 : memref<80x64xf32, #tpu.memory_space<vmem>>) dst(%dma_wait3A_28 : memref<80x64xf32, #tpu.memory_space<hbm>>)
      tpu.yield
    }) : () -> ()
    return
  }
}

#map = affine_map<(d0, d1) -> (0, 0)>
#map1 = affine_map<(d0, d1) -> (0, 0, 0)>
module attributes {stable_mosaic.version = 14 : i64} {
  func.func @_sc_scatter_body(%arg0: i32, %arg1: i32, %arg2: memref<320000x64xf32, #tpu.memory_space<hbm>>, %arg3: memref<32x125x80xi32, #tpu.memory_space<hbm>>, %arg4: memref<10240x64xf32, #tpu.memory_space<hbm>>, %arg5: memref<2x10240x64xf32, #tpu.memory_space<hbm>>, %arg6: memref<125x80xi32, #tpu.memory_space<vmem>>, %arg7: memref<80x64xf32, #tpu.memory_space<vmem>>, %arg8: memref<80x64xf32, #tpu.memory_space<vmem>>, %arg9: memref<10240x64xf32, #tpu.memory_space<vmem_shared>>, %arg10: memref<!tpu.dma_semaphore, #tpu.memory_space<semaphore_mem>>, %arg11: memref<!tpu.dma_semaphore, #tpu.memory_space<semaphore_mem>>) attributes {dimension_semantics = [#tpu.dimension_semantics<core_parallel>, #tpu.dimension_semantics<subcore_parallel>], iteration_bounds = array<i64: 2, 16>, scalar_prefetch = 0 : i64, scratch_operands = 6 : i64, tpu.core_type = #tpu.core_type<sc_vector_subcore>, window_params = [{transform_indices = #map}, {transform_indices = #map1}, {transform_indices = #map}, {transform_indices = #map1}]} {
    %mul3A = arith.constant 16 : i32
    %mul3A_0 = arith.muli %arg0, %mul3A : i32
    %add3A = arith.addi %mul3A_0, %arg1 : i32
    %mul3A_1 = arith.constant 10000 : i32
    %mul3A_2 = arith.muli %add3A, %mul3A_1 : i32
    %mul3A_3 = arith.constant 640 : i32
    %mul3A_4 = arith.muli %arg1, %mul3A_3 : i32
    %mul3A_5 = arith.constant 640 : i32
    %mul3A_6 = arith.muli %arg1, %mul3A_5 : i32
    "tpu.region"() ({
      %run_scoped3A_24 = tpu.sem_alloc : memref<!tpu.dma_semaphore, #tpu.memory_space<semaphore_mem>>
      %dma_start3A_25 = arith.constant 0 : i32
      %dma_start3A_26 = tpu.memref_slice %arg9[%mul3A_6, %dma_start3A_25] : memref<10240x64xf32, #tpu.memory_space<vmem_shared>> -> memref<640x64xf32, #tpu.memory_space<vmem_shared>>
      %dma_start3A_27 = arith.constant 0 : i32
      %dma_start3A_28 = tpu.memref_slice %arg4[%mul3A_4, %dma_start3A_27] : memref<10240x64xf32, #tpu.memory_space<hbm>> -> memref<640x64xf32, #tpu.memory_space<hbm>>
      tpu.enqueue_dma source(%dma_start3A_28 : memref<640x64xf32, #tpu.memory_space<hbm>>) target(%dma_start3A_26 : memref<640x64xf32, #tpu.memory_space<vmem_shared>>) target_semaphore(%run_scoped3A_24 : memref<!tpu.dma_semaphore, #tpu.memory_space<semaphore_mem>>)
      %dma_wait3A_29 = arith.constant 0 : i32
      %dma_wait3A_30 = tpu.memref_slice %arg9[%mul3A_6, %dma_wait3A_29] : memref<10240x64xf32, #tpu.memory_space<vmem_shared>> -> memref<640x64xf32, #tpu.memory_space<vmem_shared>>
      %dma_wait3A_31 = arith.constant 0 : i32
      %dma_wait3A_32 = tpu.memref_slice %arg4[%mul3A_4, %dma_wait3A_31] : memref<10240x64xf32, #tpu.memory_space<hbm>> -> memref<640x64xf32, #tpu.memory_space<hbm>>
      tpu.wait_dma2 semaphore(%run_scoped3A_24 : memref<!tpu.dma_semaphore, #tpu.memory_space<semaphore_mem>>) src(%dma_wait3A_32 : memref<640x64xf32, #tpu.memory_space<hbm>>) dst(%dma_wait3A_30 : memref<640x64xf32, #tpu.memory_space<vmem_shared>>)
      tpu.yield
    }) : () -> ()
    "tpu.region"() ({
      %run_scoped3A_24 = tpu.sem_alloc : memref<!tpu.dma_semaphore, #tpu.memory_space<semaphore_mem>>
      %dma_start3A_25 = arith.constant 0 : i32
      %dma_start3A_26 = arith.constant 0 : i32
      %dma_start3A_27 = tpu.memref_slice %arg3[%add3A, %dma_start3A_25, %dma_start3A_26] : memref<32x125x80xi32, #tpu.memory_space<hbm>> -> memref<1x125x80xi32, #tpu.memory_space<hbm>>
      %dma_start3A_28 = tpu.memref_squeeze %dma_start3A_27 : memref<1x125x80xi32, #tpu.memory_space<hbm>> -> memref<125x80xi32, #tpu.memory_space<hbm>>
      %dma_start3A_29 = arith.constant 0 : i32
      %dma_start3A_30 = arith.constant 0 : i32
      %dma_start3A_31 = tpu.memref_slice %arg3[%add3A, %dma_start3A_29, %dma_start3A_30] : memref<32x125x80xi32, #tpu.memory_space<hbm>> -> memref<1x125x80xi32, #tpu.memory_space<hbm>>
      %dma_start3A_32 = tpu.memref_squeeze %dma_start3A_31 : memref<1x125x80xi32, #tpu.memory_space<hbm>> -> memref<125x80xi32, #tpu.memory_space<hbm>>
      tpu.enqueue_dma source(%dma_start3A_32 : memref<125x80xi32, #tpu.memory_space<hbm>>) target(%arg6 : memref<125x80xi32, #tpu.memory_space<vmem>>) target_semaphore(%run_scoped3A_24 : memref<!tpu.dma_semaphore, #tpu.memory_space<semaphore_mem>>)
      %dma_wait3A_33 = arith.constant 0 : i32
      %dma_wait3A_34 = arith.constant 0 : i32
      %dma_wait3A_35 = tpu.memref_slice %arg3[%add3A, %dma_wait3A_33, %dma_wait3A_34] : memref<32x125x80xi32, #tpu.memory_space<hbm>> -> memref<1x125x80xi32, #tpu.memory_space<hbm>>
      %dma_wait3A_36 = tpu.memref_squeeze %dma_wait3A_35 : memref<1x125x80xi32, #tpu.memory_space<hbm>> -> memref<125x80xi32, #tpu.memory_space<hbm>>
      %dma_wait3A_37 = arith.constant 0 : i32
      %dma_wait3A_38 = arith.constant 0 : i32
      %dma_wait3A_39 = tpu.memref_slice %arg3[%add3A, %dma_wait3A_37, %dma_wait3A_38] : memref<32x125x80xi32, #tpu.memory_space<hbm>> -> memref<1x125x80xi32, #tpu.memory_space<hbm>>
      %dma_wait3A_40 = tpu.memref_squeeze %dma_wait3A_39 : memref<1x125x80xi32, #tpu.memory_space<hbm>> -> memref<125x80xi32, #tpu.memory_space<hbm>>
      tpu.wait_dma2 semaphore(%run_scoped3A_24 : memref<!tpu.dma_semaphore, #tpu.memory_space<semaphore_mem>>) src(%dma_wait3A_40 : memref<125x80xi32, #tpu.memory_space<hbm>>) dst(%arg6 : memref<125x80xi32, #tpu.memory_space<vmem>>)
      tpu.yield
    }) : () -> ()
    %barrier3A = arith.constant 0 : index
    tpu.barrier barrier_id(%barrier3A)
    %dma_start3A = arith.constant 0 : i32
    %dma_start3A_7 = tpu.memref_slice %arg2[%mul3A_2, %dma_start3A] : memref<320000x64xf32, #tpu.memory_space<hbm>> -> memref<80x64xf32, #tpu.memory_space<hbm>>
    %dma_start3A_8 = arith.constant 0 : i32
    %dma_start3A_9 = tpu.memref_slice %arg2[%mul3A_2, %dma_start3A_8] : memref<320000x64xf32, #tpu.memory_space<hbm>> -> memref<80x64xf32, #tpu.memory_space<hbm>>
    tpu.enqueue_dma source(%dma_start3A_9 : memref<80x64xf32, #tpu.memory_space<hbm>>) target(%arg7 : memref<80x64xf32, #tpu.memory_space<vmem>>) target_semaphore(%arg10 : memref<!tpu.dma_semaphore, #tpu.memory_space<semaphore_mem>>)
    %scan3A = arith.constant 0 : i32
    %scan3A_10 = arith.constant 124 : i32
    %scan3A_11 = arith.addi %scan3A, %scan3A_10 : i32
    %scan3A_12 = arith.constant 1 : i32
    scf.for %scan3A_24 = %scan3A to %scan3A_11 step %scan3A_12  : i32 {
      %rem3A = arith.constant 2 : i32
      %rem3A_25 = arith.remsi %scan3A_24, %rem3A : i32
      %eq3A = arith.constant 0 : i32
      %eq3A_26 = arith.cmpi eq, %rem3A_25, %eq3A : i32
      %convert_element_type3A = arith.extui %eq3A_26 : i1 to i32
      %cond3A = arith.constant 0 : i32
      %cond3A_27 = arith.cmpi ne, %convert_element_type3A, %cond3A : i32
      scf.if %cond3A_27 {
        %add3A_32 = arith.constant 1 : i32
        %add3A_33 = arith.addi %scan3A_24, %add3A_32 : i32
        %mul3A_34 = arith.constant 80 : i32
        %mul3A_35 = arith.muli %add3A_33, %mul3A_34 : i32
        %add3A_36 = arith.addi %mul3A_2, %mul3A_35 : i32
        %dma_start3A_37 = arith.constant 0 : i32
        %dma_start3A_38 = tpu.memref_slice %arg2[%add3A_36, %dma_start3A_37] : memref<320000x64xf32, #tpu.memory_space<hbm>> -> memref<80x64xf32, #tpu.memory_space<hbm>>
        %dma_start3A_39 = arith.constant 0 : i32
        %dma_start3A_40 = tpu.memref_slice %arg2[%add3A_36, %dma_start3A_39] : memref<320000x64xf32, #tpu.memory_space<hbm>> -> memref<80x64xf32, #tpu.memory_space<hbm>>
        tpu.enqueue_dma source(%dma_start3A_40 : memref<80x64xf32, #tpu.memory_space<hbm>>) target(%arg8 : memref<80x64xf32, #tpu.memory_space<vmem>>) target_semaphore(%arg11 : memref<!tpu.dma_semaphore, #tpu.memory_space<semaphore_mem>>)
        %mul3A_41 = arith.constant 80 : i32
        %mul3A_42 = arith.muli %scan3A_24, %mul3A_41 : i32
        %add3A_43 = arith.addi %mul3A_2, %mul3A_42 : i32
        %dma_wait3A_44 = arith.constant 0 : i32
        %dma_wait3A_45 = tpu.memref_slice %arg2[%add3A_43, %dma_wait3A_44] : memref<320000x64xf32, #tpu.memory_space<hbm>> -> memref<80x64xf32, #tpu.memory_space<hbm>>
        %dma_wait3A_46 = arith.constant 0 : i32
        %dma_wait3A_47 = tpu.memref_slice %arg2[%add3A_43, %dma_wait3A_46] : memref<320000x64xf32, #tpu.memory_space<hbm>> -> memref<80x64xf32, #tpu.memory_space<hbm>>
        tpu.wait_dma2 semaphore(%arg10 : memref<!tpu.dma_semaphore, #tpu.memory_space<semaphore_mem>>) src(%dma_wait3A_47 : memref<80x64xf32, #tpu.memory_space<hbm>>) dst(%arg7 : memref<80x64xf32, #tpu.memory_space<vmem>>)
        "tpu.region"() ({
          %run_scoped3A_48 = tpu.sem_alloc : memref<!tpu.dma_semaphore, #tpu.memory_space<semaphore_mem>>
          %dma_start3A_49 = arith.constant 0 : i32
          %dma_start3A_50 = tpu.memref_slice %arg6[%scan3A_24, %dma_start3A_49] : memref<125x80xi32, #tpu.memory_space<vmem>> -> memref<1x80xi32, #tpu.memory_space<vmem>>
          %dma_start3A_51 = tpu.memref_squeeze %dma_start3A_50 : memref<1x80xi32, #tpu.memory_space<vmem>> -> memref<80xi32, #tpu.memory_space<vmem>>
          %dma_start3A_52 = arith.constant 0 : i32
          %dma_start3A_53 = arith.constant 0 : i32
          %dma_start3A_54 = tpu.memref_slice %arg9[%dma_start3A_52, %dma_start3A_53] : memref<10240x64xf32, #tpu.memory_space<vmem_shared>> -> memref<10240x64xf32, #tpu.memory_space<vmem_shared>>
          tpu.enqueue_indirect_dma source(%arg7 : memref<80x64xf32, #tpu.memory_space<vmem>>) target(%dma_start3A_54 : memref<10240x64xf32, #tpu.memory_space<vmem_shared>>) offsets(%dma_start3A_51 : memref<80xi32, #tpu.memory_space<vmem>>) semaphore(%run_scoped3A_48 : memref<!tpu.dma_semaphore, #tpu.memory_space<semaphore_mem>>) {add = true}
          %dma_wait3A_55 = arith.constant 0 : i32
          %dma_wait3A_56 = tpu.memref_slice %arg6[%scan3A_24, %dma_wait3A_55] : memref<125x80xi32, #tpu.memory_space<vmem>> -> memref<1x80xi32, #tpu.memory_space<vmem>>
          %dma_wait3A_57 = tpu.memref_squeeze %dma_wait3A_56 : memref<1x80xi32, #tpu.memory_space<vmem>> -> memref<80xi32, #tpu.memory_space<vmem>>
          %dma_wait3A_58 = arith.constant 0 : i32
          %dma_wait3A_59 = arith.constant 0 : i32
          %dma_wait3A_60 = tpu.memref_slice %arg9[%dma_wait3A_58, %dma_wait3A_59] : memref<10240x64xf32, #tpu.memory_space<vmem_shared>> -> memref<10240x64xf32, #tpu.memory_space<vmem_shared>>
          tpu.wait_indirect_dma semaphore(%run_scoped3A_48 : memref<!tpu.dma_semaphore, #tpu.memory_space<semaphore_mem>>) src(%arg7 : memref<80x64xf32, #tpu.memory_space<vmem>>) dst(%dma_wait3A_60 : memref<10240x64xf32, #tpu.memory_space<vmem_shared>>)
          tpu.yield
        }) : () -> ()
      } else {
      }
      %not3A = arith.constant true
      %not3A_28 = arith.xori %eq3A_26, %not3A : i1
      %convert_element_type3A_29 = arith.extui %not3A_28 : i1 to i32
      %cond3A_30 = arith.constant 0 : i32
      %cond3A_31 = arith.cmpi ne, %convert_element_type3A_29, %cond3A_30 : i32
      scf.if %cond3A_31 {
        %add3A_32 = arith.constant 1 : i32
        %add3A_33 = arith.addi %scan3A_24, %add3A_32 : i32
        %mul3A_34 = arith.constant 80 : i32
        %mul3A_35 = arith.muli %add3A_33, %mul3A_34 : i32
        %add3A_36 = arith.addi %mul3A_2, %mul3A_35 : i32
        %dma_start3A_37 = arith.constant 0 : i32
        %dma_start3A_38 = tpu.memref_slice %arg2[%add3A_36, %dma_start3A_37] : memref<320000x64xf32, #tpu.memory_space<hbm>> -> memref<80x64xf32, #tpu.memory_space<hbm>>
        %dma_start3A_39 = arith.constant 0 : i32
        %dma_start3A_40 = tpu.memref_slice %arg2[%add3A_36, %dma_start3A_39] : memref<320000x64xf32, #tpu.memory_space<hbm>> -> memref<80x64xf32, #tpu.memory_space<hbm>>
        tpu.enqueue_dma source(%dma_start3A_40 : memref<80x64xf32, #tpu.memory_space<hbm>>) target(%arg7 : memref<80x64xf32, #tpu.memory_space<vmem>>) target_semaphore(%arg10 : memref<!tpu.dma_semaphore, #tpu.memory_space<semaphore_mem>>)
        %mul3A_41 = arith.constant 80 : i32
        %mul3A_42 = arith.muli %scan3A_24, %mul3A_41 : i32
        %add3A_43 = arith.addi %mul3A_2, %mul3A_42 : i32
        %dma_wait3A_44 = arith.constant 0 : i32
        %dma_wait3A_45 = tpu.memref_slice %arg2[%add3A_43, %dma_wait3A_44] : memref<320000x64xf32, #tpu.memory_space<hbm>> -> memref<80x64xf32, #tpu.memory_space<hbm>>
        %dma_wait3A_46 = arith.constant 0 : i32
        %dma_wait3A_47 = tpu.memref_slice %arg2[%add3A_43, %dma_wait3A_46] : memref<320000x64xf32, #tpu.memory_space<hbm>> -> memref<80x64xf32, #tpu.memory_space<hbm>>
        tpu.wait_dma2 semaphore(%arg11 : memref<!tpu.dma_semaphore, #tpu.memory_space<semaphore_mem>>) src(%dma_wait3A_47 : memref<80x64xf32, #tpu.memory_space<hbm>>) dst(%arg8 : memref<80x64xf32, #tpu.memory_space<vmem>>)
        "tpu.region"() ({
          %run_scoped3A_48 = tpu.sem_alloc : memref<!tpu.dma_semaphore, #tpu.memory_space<semaphore_mem>>
          %dma_start3A_49 = arith.constant 0 : i32
          %dma_start3A_50 = tpu.memref_slice %arg6[%scan3A_24, %dma_start3A_49] : memref<125x80xi32, #tpu.memory_space<vmem>> -> memref<1x80xi32, #tpu.memory_space<vmem>>
          %dma_start3A_51 = tpu.memref_squeeze %dma_start3A_50 : memref<1x80xi32, #tpu.memory_space<vmem>> -> memref<80xi32, #tpu.memory_space<vmem>>
          %dma_start3A_52 = arith.constant 0 : i32
          %dma_start3A_53 = arith.constant 0 : i32
          %dma_start3A_54 = tpu.memref_slice %arg9[%dma_start3A_52, %dma_start3A_53] : memref<10240x64xf32, #tpu.memory_space<vmem_shared>> -> memref<10240x64xf32, #tpu.memory_space<vmem_shared>>
          tpu.enqueue_indirect_dma source(%arg8 : memref<80x64xf32, #tpu.memory_space<vmem>>) target(%dma_start3A_54 : memref<10240x64xf32, #tpu.memory_space<vmem_shared>>) offsets(%dma_start3A_51 : memref<80xi32, #tpu.memory_space<vmem>>) semaphore(%run_scoped3A_48 : memref<!tpu.dma_semaphore, #tpu.memory_space<semaphore_mem>>) {add = true}
          %dma_wait3A_55 = arith.constant 0 : i32
          %dma_wait3A_56 = tpu.memref_slice %arg6[%scan3A_24, %dma_wait3A_55] : memref<125x80xi32, #tpu.memory_space<vmem>> -> memref<1x80xi32, #tpu.memory_space<vmem>>
          %dma_wait3A_57 = tpu.memref_squeeze %dma_wait3A_56 : memref<1x80xi32, #tpu.memory_space<vmem>> -> memref<80xi32, #tpu.memory_space<vmem>>
          %dma_wait3A_58 = arith.constant 0 : i32
          %dma_wait3A_59 = arith.constant 0 : i32
          %dma_wait3A_60 = tpu.memref_slice %arg9[%dma_wait3A_58, %dma_wait3A_59] : memref<10240x64xf32, #tpu.memory_space<vmem_shared>> -> memref<10240x64xf32, #tpu.memory_space<vmem_shared>>
          tpu.wait_indirect_dma semaphore(%run_scoped3A_48 : memref<!tpu.dma_semaphore, #tpu.memory_space<semaphore_mem>>) src(%arg8 : memref<80x64xf32, #tpu.memory_space<vmem>>) dst(%dma_wait3A_60 : memref<10240x64xf32, #tpu.memory_space<vmem_shared>>)
          tpu.yield
        }) : () -> ()
      } else {
      }
    }
    %scan3A_13 = arith.constant 124 : i32
    %add3A_14 = arith.constant 9920 : i32
    %add3A_15 = arith.addi %mul3A_2, %add3A_14 : i32
    %dma_wait3A = arith.constant 0 : i32
    %dma_wait3A_16 = tpu.memref_slice %arg2[%add3A_15, %dma_wait3A] : memref<320000x64xf32, #tpu.memory_space<hbm>> -> memref<80x64xf32, #tpu.memory_space<hbm>>
    %dma_wait3A_17 = arith.constant 0 : i32
    %dma_wait3A_18 = tpu.memref_slice %arg2[%add3A_15, %dma_wait3A_17] : memref<320000x64xf32, #tpu.memory_space<hbm>> -> memref<80x64xf32, #tpu.memory_space<hbm>>
    tpu.wait_dma2 semaphore(%arg10 : memref<!tpu.dma_semaphore, #tpu.memory_space<semaphore_mem>>) src(%dma_wait3A_18 : memref<80x64xf32, #tpu.memory_space<hbm>>) dst(%arg7 : memref<80x64xf32, #tpu.memory_space<vmem>>)
    %run_scoped3A = arith.constant 124 : i32
    "tpu.region"() ({
      %run_scoped3A_24 = tpu.sem_alloc : memref<!tpu.dma_semaphore, #tpu.memory_space<semaphore_mem>>
      %dma_start3A_25 = arith.constant 0 : i32
      %dma_start3A_26 = tpu.memref_slice %arg6[%run_scoped3A, %dma_start3A_25] : memref<125x80xi32, #tpu.memory_space<vmem>> -> memref<1x80xi32, #tpu.memory_space<vmem>>
      %dma_start3A_27 = tpu.memref_squeeze %dma_start3A_26 : memref<1x80xi32, #tpu.memory_space<vmem>> -> memref<80xi32, #tpu.memory_space<vmem>>
      %dma_start3A_28 = arith.constant 0 : i32
      %dma_start3A_29 = arith.constant 0 : i32
      %dma_start3A_30 = tpu.memref_slice %arg9[%dma_start3A_28, %dma_start3A_29] : memref<10240x64xf32, #tpu.memory_space<vmem_shared>> -> memref<10240x64xf32, #tpu.memory_space<vmem_shared>>
      tpu.enqueue_indirect_dma source(%arg7 : memref<80x64xf32, #tpu.memory_space<vmem>>) target(%dma_start3A_30 : memref<10240x64xf32, #tpu.memory_space<vmem_shared>>) offsets(%dma_start3A_27 : memref<80xi32, #tpu.memory_space<vmem>>) semaphore(%run_scoped3A_24 : memref<!tpu.dma_semaphore, #tpu.memory_space<semaphore_mem>>) {add = true}
      %dma_wait3A_31 = arith.constant 0 : i32
      %dma_wait3A_32 = tpu.memref_slice %arg6[%run_scoped3A, %dma_wait3A_31] : memref<125x80xi32, #tpu.memory_space<vmem>> -> memref<1x80xi32, #tpu.memory_space<vmem>>
      %dma_wait3A_33 = tpu.memref_squeeze %dma_wait3A_32 : memref<1x80xi32, #tpu.memory_space<vmem>> -> memref<80xi32, #tpu.memory_space<vmem>>
      %dma_wait3A_34 = arith.constant 0 : i32
      %dma_wait3A_35 = arith.constant 0 : i32
      %dma_wait3A_36 = tpu.memref_slice %arg9[%dma_wait3A_34, %dma_wait3A_35] : memref<10240x64xf32, #tpu.memory_space<vmem_shared>> -> memref<10240x64xf32, #tpu.memory_space<vmem_shared>>
      tpu.wait_indirect_dma semaphore(%run_scoped3A_24 : memref<!tpu.dma_semaphore, #tpu.memory_space<semaphore_mem>>) src(%arg7 : memref<80x64xf32, #tpu.memory_space<vmem>>) dst(%dma_wait3A_36 : memref<10240x64xf32, #tpu.memory_space<vmem_shared>>)
      tpu.yield
    }) : () -> ()
    %barrier3A_19 = arith.constant 0 : index
    tpu.barrier barrier_id(%barrier3A_19)
    %mul3A_20 = arith.constant 640 : i32
    %mul3A_21 = arith.muli %arg1, %mul3A_20 : i32
    %mul3A_22 = arith.constant 640 : i32
    %mul3A_23 = arith.muli %arg1, %mul3A_22 : i32
    "tpu.region"() ({
      %run_scoped3A_24 = tpu.sem_alloc : memref<!tpu.dma_semaphore, #tpu.memory_space<semaphore_mem>>
      %dma_start3A_25 = arith.constant 0 : i32
      %dma_start3A_26 = tpu.memref_slice %arg5[%arg0, %mul3A_23, %dma_start3A_25] : memref<2x10240x64xf32, #tpu.memory_space<hbm>> -> memref<1x640x64xf32, #tpu.memory_space<hbm>>
      %dma_start3A_27 = tpu.memref_squeeze %dma_start3A_26 : memref<1x640x64xf32, #tpu.memory_space<hbm>> -> memref<640x64xf32, #tpu.memory_space<hbm>>
      %dma_start3A_28 = arith.constant 0 : i32
      %dma_start3A_29 = tpu.memref_slice %arg9[%mul3A_21, %dma_start3A_28] : memref<10240x64xf32, #tpu.memory_space<vmem_shared>> -> memref<640x64xf32, #tpu.memory_space<vmem_shared>>
      tpu.enqueue_dma source(%dma_start3A_29 : memref<640x64xf32, #tpu.memory_space<vmem_shared>>) target(%dma_start3A_27 : memref<640x64xf32, #tpu.memory_space<hbm>>) target_semaphore(%run_scoped3A_24 : memref<!tpu.dma_semaphore, #tpu.memory_space<semaphore_mem>>)
      %dma_wait3A_30 = arith.constant 0 : i32
      %dma_wait3A_31 = tpu.memref_slice %arg5[%arg0, %mul3A_23, %dma_wait3A_30] : memref<2x10240x64xf32, #tpu.memory_space<hbm>> -> memref<1x640x64xf32, #tpu.memory_space<hbm>>
      %dma_wait3A_32 = tpu.memref_squeeze %dma_wait3A_31 : memref<1x640x64xf32, #tpu.memory_space<hbm>> -> memref<640x64xf32, #tpu.memory_space<hbm>>
      %dma_wait3A_33 = arith.constant 0 : i32
      %dma_wait3A_34 = tpu.memref_slice %arg9[%mul3A_21, %dma_wait3A_33] : memref<10240x64xf32, #tpu.memory_space<vmem_shared>> -> memref<640x64xf32, #tpu.memory_space<vmem_shared>>
      tpu.wait_dma2 semaphore(%run_scoped3A_24 : memref<!tpu.dma_semaphore, #tpu.memory_space<semaphore_mem>>) src(%dma_wait3A_34 : memref<640x64xf32, #tpu.memory_space<vmem_shared>>) dst(%dma_wait3A_32 : memref<640x64xf32, #tpu.memory_space<hbm>>)
      tpu.yield
    }) : () -> ()
    return
  }
}

module attributes {stable_mosaic.version = 14 : i64} {
  func.func @_embed_body(%arg0: i32, %arg1: memref<2000x4xf32, #tpu.memory_space<vmem>>, %arg2: memref<4x64xf32, #tpu.memory_space<vmem>>, %arg3: memref<2000x64xf32, #tpu.memory_space<vmem>>) attributes {dimension_semantics = [#tpu.dimension_semantics<arbitrary>], iteration_bounds = array<i64: 5>, scalar_prefetch = 0 : i64, scratch_operands = 0 : i64, tpu.core_type = #tpu.core_type<tc>, window_params = [{transform_indices = @transform_0, window_bounds = array<i64: 2000, 4>}, {pipeline_mode = #tpu.pipeline_mode<synchronous>, transform_indices = @transform_1, window_bounds = array<i64: 4, 64>}, {transform_indices = @transform_2, window_bounds = array<i64: 2000, 64>}]} {
    %get3A = arith.constant 0 : index
    %get3A_0 = arith.constant 0 : index
    %get3A_1 = vector.load %arg1[%get3A, %get3A_0] : memref<2000x4xf32, #tpu.memory_space<vmem>>, vector<2000x4xf32>
    %get3A_2 = arith.constant 0 : index
    %get3A_3 = arith.constant 0 : index
    %get3A_4 = vector.load %arg2[%get3A_2, %get3A_3] : memref<4x64xf32, #tpu.memory_space<vmem>>, vector<4x64xf32>
    %slice3A = vector.extract_strided_slice %get3A_1 {offsets = [0, 0], sizes = [2000, 1], strides = [1, 1]} : vector<2000x4xf32> to vector<2000x1xf32>
    %slice3A_5 = vector.extract_strided_slice %get3A_4 {offsets = [0, 0], sizes = [1, 64], strides = [1, 1]} : vector<4x64xf32> to vector<1x64xf32>
    %mul3A = vector.broadcast %slice3A : vector<2000x1xf32> to vector<2000x64xf32>
    %mul3A_6 = vector.broadcast %slice3A_5 : vector<1x64xf32> to vector<2000x64xf32>
    %mul3A_7 = arith.mulf %mul3A, %mul3A_6 : vector<2000x64xf32>
    %add3A = arith.constant 0.000000e+00 : f32
    %add3A_8 = vector.broadcast %add3A : f32 to vector<2000x64xf32>
    %add3A_9 = arith.addf %add3A_8, %mul3A_7 : vector<2000x64xf32>
    %slice3A_10 = vector.extract_strided_slice %get3A_1 {offsets = [0, 1], sizes = [2000, 1], strides = [1, 1]} : vector<2000x4xf32> to vector<2000x1xf32>
    %slice3A_11 = vector.extract_strided_slice %get3A_4 {offsets = [1, 0], sizes = [1, 64], strides = [1, 1]} : vector<4x64xf32> to vector<1x64xf32>
    %mul3A_12 = vector.broadcast %slice3A_10 : vector<2000x1xf32> to vector<2000x64xf32>
    %mul3A_13 = vector.broadcast %slice3A_11 : vector<1x64xf32> to vector<2000x64xf32>
    %mul3A_14 = arith.mulf %mul3A_12, %mul3A_13 : vector<2000x64xf32>
    %add3A_15 = arith.addf %add3A_9, %mul3A_14 : vector<2000x64xf32>
    %slice3A_16 = vector.extract_strided_slice %get3A_1 {offsets = [0, 2], sizes = [2000, 1], strides = [1, 1]} : vector<2000x4xf32> to vector<2000x1xf32>
    %slice3A_17 = vector.extract_strided_slice %get3A_4 {offsets = [2, 0], sizes = [1, 64], strides = [1, 1]} : vector<4x64xf32> to vector<1x64xf32>
    %mul3A_18 = vector.broadcast %slice3A_16 : vector<2000x1xf32> to vector<2000x64xf32>
    %mul3A_19 = vector.broadcast %slice3A_17 : vector<1x64xf32> to vector<2000x64xf32>
    %mul3A_20 = arith.mulf %mul3A_18, %mul3A_19 : vector<2000x64xf32>
    %add3A_21 = arith.addf %add3A_15, %mul3A_20 : vector<2000x64xf32>
    %slice3A_22 = vector.extract_strided_slice %get3A_1 {offsets = [0, 3], sizes = [2000, 1], strides = [1, 1]} : vector<2000x4xf32> to vector<2000x1xf32>
    %slice3A_23 = vector.extract_strided_slice %get3A_4 {offsets = [3, 0], sizes = [1, 64], strides = [1, 1]} : vector<4x64xf32> to vector<1x64xf32>
    %mul3A_24 = vector.broadcast %slice3A_22 : vector<2000x1xf32> to vector<2000x64xf32>
    %mul3A_25 = vector.broadcast %slice3A_23 : vector<1x64xf32> to vector<2000x64xf32>
    %mul3A_26 = arith.mulf %mul3A_24, %mul3A_25 : vector<2000x64xf32>
    %add3A_27 = arith.addf %add3A_21, %mul3A_26 : vector<2000x64xf32>
    %swap3A = arith.constant 0 : index
    %swap3A_28 = arith.constant 0 : index
    %swap3A_29 = vector.load %arg3[%swap3A, %swap3A_28] : memref<2000x64xf32, #tpu.memory_space<vmem>>, vector<2000x64xf32>
    tpu.vector_store %arg3[%swap3A, %swap3A_28], %add3A_27 {strides = array<i32>} : memref<2000x64xf32, #tpu.memory_space<vmem>>, vector<2000x64xf32>,
    return
  }
  func.func @transform_0(%arg0: i32) -> (i32, i32) {
    %c0_i32 = arith.constant 0 : i32
    %c0_i32_0 = arith.constant 0 : i32
    return %arg0, %c0_i32 : i32, i32
  }
  func.func @transform_1(%arg0: i32) -> (i32, i32) {
    %c0_i32 = arith.constant 0 : i32
    %c0_i32_0 = arith.constant 0 : i32
    %c0_i32_1 = arith.constant 0 : i32
    return %c0_i32, %c0_i32_0 : i32, i32
  }
  func.func @transform_2(%arg0: i32) -> (i32, i32) {
    %c0_i32 = arith.constant 0 : i32
    %c0_i32_0 = arith.constant 0 : i32
    return %arg0, %c0_i32 : i32, i32
  }
}

module attributes {stable_mosaic.version = 14 : i64} {
  func.func @_edge_body(%arg0: i32, %arg1: memref<2560x1xf32, #tpu.memory_space<vmem>>, %arg2: memref<2560x3xf32, #tpu.memory_space<vmem>>, %arg3: memref<2560x64xf32, #tpu.memory_space<vmem>>, %arg4: memref<8x64xf32, #tpu.memory_space<vmem>>, %arg5: memref<64x64xf32, #tpu.memory_space<vmem>>, %arg6: memref<64x576xf32, #tpu.memory_space<vmem>>, %arg7: memref<2560x64xf32, #tpu.memory_space<vmem>>) attributes {dimension_semantics = [#tpu.dimension_semantics<arbitrary>], iteration_bounds = array<i64: 125>, scalar_prefetch = 0 : i64, scratch_operands = 0 : i64, tpu.core_type = #tpu.core_type<tc>, window_params = [{transform_indices = @transform_0, window_bounds = array<i64: 2560, 1>}, {transform_indices = @transform_1, window_bounds = array<i64: 2560, 3>}, {transform_indices = @transform_2, window_bounds = array<i64: 2560, 64>}, {pipeline_mode = #tpu.pipeline_mode<synchronous>, transform_indices = @transform_3, window_bounds = array<i64: 8, 64>}, {pipeline_mode = #tpu.pipeline_mode<synchronous>, transform_indices = @transform_4, window_bounds = array<i64: 64, 64>}, {pipeline_mode = #tpu.pipeline_mode<synchronous>, transform_indices = @transform_5, window_bounds = array<i64: 64, 576>}, {transform_indices = @transform_6, window_bounds = array<i64: 2560, 64>}]} {
    %get3A = arith.constant 0 : index
    %get3A_0 = arith.constant 0 : index
    %get3A_1 = vector.load %arg1[%get3A, %get3A_0] : memref<2560x1xf32, #tpu.memory_space<vmem>>, vector<2560x1xf32>
    %mul3A = arith.constant 2.000000e-01 : f32
    %mul3A_2 = vector.broadcast %mul3A : f32 to vector<2560x1xf32>
    %mul3A_3 = arith.mulf %get3A_1, %mul3A_2 : vector<2560x1xf32>
    %mul3A_4 = arith.mulf %mul3A_3, %mul3A_3 : vector<2560x1xf32>
    %mul3A_5 = arith.mulf %mul3A_4, %mul3A_4 : vector<2560x1xf32>
    %mul3A_6 = arith.mulf %mul3A_5, %mul3A_3 : vector<2560x1xf32>
    %mul3A_7 = arith.constant 2.100000e+01 : f32
    %mul3A_8 = vector.broadcast %mul3A_7 : f32 to vector<2560x1xf32>
    %mul3A_9 = arith.mulf %mul3A_8, %mul3A_6 : vector<2560x1xf32>
    %sub3A = arith.constant 1.000000e+00 : f32
    %sub3A_10 = vector.broadcast %sub3A : f32 to vector<2560x1xf32>
    %sub3A_11 = arith.subf %sub3A_10, %mul3A_9 : vector<2560x1xf32>
    %mul3A_12 = arith.constant 3.500000e+01 : f32
    %mul3A_13 = vector.broadcast %mul3A_12 : f32 to vector<2560x1xf32>
    %mul3A_14 = arith.mulf %mul3A_13, %mul3A_6 : vector<2560x1xf32>
    %mul3A_15 = arith.mulf %mul3A_14, %mul3A_3 : vector<2560x1xf32>
    %add3A = arith.addf %sub3A_11, %mul3A_15 : vector<2560x1xf32>
    %mul3A_16 = arith.constant 1.500000e+01 : f32
    %mul3A_17 = vector.broadcast %mul3A_16 : f32 to vector<2560x1xf32>
    %mul3A_18 = arith.mulf %mul3A_17, %mul3A_6 : vector<2560x1xf32>
    %mul3A_19 = arith.mulf %mul3A_18, %mul3A_4 : vector<2560x1xf32>
    %sub3A_20 = arith.subf %add3A, %mul3A_19 : vector<2560x1xf32>
    %lt3A = arith.constant 1.000000e+00 : f32
    %lt3A_21 = vector.broadcast %lt3A : f32 to vector<2560x1xf32>
    %lt3A_22 = arith.cmpf olt, %mul3A_3, %lt3A_21 : vector<2560x1xf32>
    %convert_element_type3A = arith.extui %lt3A_22 : vector<2560x1xi1> to vector<2560x1xi32>
    %convert_element_type3A_23 = arith.sitofp %convert_element_type3A : vector<2560x1xi32> to vector<2560x1xf32>
    %mul3A_24 = arith.mulf %sub3A_20, %convert_element_type3A_23 : vector<2560x1xf32>
    %iota3A = tpu.iota {dimensions = array<i32: 1>} : vector<1x8xi32>
    %convert_element_type3A_25 = arith.sitofp %iota3A : vector<1x8xi32> to vector<1x8xf32>
    %add3A_26 = arith.constant 1.000000e+00 : f32
    %add3A_27 = vector.broadcast %add3A_26 : f32 to vector<1x8xf32>
    %add3A_28 = arith.addf %convert_element_type3A_25, %add3A_27 : vector<1x8xf32>
    %mul3A_29 = arith.constant 0.628318548 : f32
    %mul3A_30 = vector.broadcast %mul3A_29 : f32 to vector<1x8xf32>
    %mul3A_31 = arith.mulf %add3A_28, %mul3A_30 : vector<1x8xf32>
    %mul3A_32 = vector.broadcast %mul3A_31 : vector<1x8xf32> to vector<2560x8xf32>
    %mul3A_33 = vector.broadcast %get3A_1 : vector<2560x1xf32> to vector<2560x8xf32>
    %mul3A_34 = arith.mulf %mul3A_32, %mul3A_33 : vector<2560x8xf32>
    %sqrt3A = arith.constant 4.000000e-01 : f32
    %sqrt3A_35 = math.sqrt %sqrt3A : f32
    %mul3A_36 = vector.broadcast %sqrt3A_35 : f32 to vector<2560x1xf32>
    %mul3A_37 = arith.mulf %mul3A_36, %mul3A_24 : vector<2560x1xf32>
    %div3A = arith.divf %mul3A_37, %get3A_1 : vector<2560x1xf32>
    %sin3A = math.sin %mul3A_34 : vector<2560x8xf32>
    %mul3A_38 = vector.broadcast %div3A : vector<2560x1xf32> to vector<2560x8xf32>
    %mul3A_39 = arith.mulf %mul3A_38, %sin3A : vector<2560x8xf32>
    %get3A_40 = arith.constant 0 : index
    %get3A_41 = arith.constant 0 : index
    %get3A_42 = vector.load %arg4[%get3A_40, %get3A_41] : memref<8x64xf32, #tpu.memory_space<vmem>>, vector<8x64xf32>
    %dot_general3A = arith.constant dense<0.000000e+00> : vector<2560x64xf32>
    %dot_general3A_43 = tpu.matmul %mul3A_39, %get3A_42, %dot_general3A {dimension_numbers = #tpu.dot_dimension_numbers<[1], [0], [0], [1], [0, 0, 1, 1], [], []>, transpose_lhs_hint = false} : vector<2560x8xf32>, vector<8x64xf32>, vector<2560x64xf32> -> vector<2560x64xf32>
    %logistic3A = arith.negf %dot_general3A_43 : vector<2560x64xf32>
    %logistic3A_44 = math.exp %logistic3A : vector<2560x64xf32>
    %logistic3A_45 = arith.constant 1.000000e+00 : f32
    %logistic3A_46 = vector.broadcast %logistic3A_45 : f32 to vector<2560x64xf32>
    %logistic3A_47 = arith.addf %logistic3A_46, %logistic3A_44 : vector<2560x64xf32>
    %logistic3A_48 = arith.divf %logistic3A_46, %logistic3A_47 : vector<2560x64xf32>
    %mul3A_49 = arith.mulf %dot_general3A_43, %logistic3A_48 : vector<2560x64xf32>
    %get3A_50 = arith.constant 0 : index
    %get3A_51 = arith.constant 0 : index
    %get3A_52 = vector.load %arg5[%get3A_50, %get3A_51] : memref<64x64xf32, #tpu.memory_space<vmem>>, vector<64x64xf32>
    %dot_general3A_53 = arith.constant dense<0.000000e+00> : vector<2560x64xf32>
    %dot_general3A_54 = tpu.matmul %mul3A_49, %get3A_52, %dot_general3A_53 {dimension_numbers = #tpu.dot_dimension_numbers<[1], [0], [0], [1], [0, 0, 1, 1], [], []>, transpose_lhs_hint = false} : vector<2560x64xf32>, vector<64x64xf32>, vector<2560x64xf32> -> vector<2560x64xf32>
    %get3A_55 = arith.constant 0 : index
    %get3A_56 = arith.constant 0 : index
    %get3A_57 = vector.load %arg2[%get3A_55, %get3A_56] : memref<2560x3xf32, #tpu.memory_space<vmem>>, vector<2560x3xf32>
    %mul3A_58 = arith.mulf %get3A_57, %get3A_57 : vector<2560x3xf32>
    %reduce_sum3A = arith.constant dense<0.000000e+00> : vector<2560xf32>
    %reduce_sum3A_59 = vector.multi_reduction <add>, %mul3A_58, %reduce_sum3A [1] : vector<2560x3xf32> to vector<2560xf32>
    %broadcast_in_dim3A = vector.shape_cast %reduce_sum3A_59 : vector<2560xf32> to vector<2560x1xf32>
    %sqrt3A_60 = math.sqrt %broadcast_in_dim3A : vector<2560x1xf32>
    %add3A_61 = arith.constant 9.99999971E-10 : f32
    %add3A_62 = vector.broadcast %add3A_61 : f32 to vector<2560x1xf32>
    %add3A_63 = arith.addf %sqrt3A_60, %add3A_62 : vector<2560x1xf32>
    %div3A_64 = arith.constant 1.000000e+00 : f32
    %div3A_65 = vector.broadcast %div3A_64 : f32 to vector<2560x1xf32>
    %div3A_66 = arith.divf %div3A_65, %add3A_63 : vector<2560x1xf32>
    %slice3A = vector.extract_strided_slice %get3A_57 {offsets = [0, 0], sizes = [2560, 1], strides = [1, 1]} : vector<2560x3xf32> to vector<2560x1xf32>
    %mul3A_67 = arith.mulf %slice3A, %div3A_66 : vector<2560x1xf32>
    %slice3A_68 = vector.extract_strided_slice %get3A_57 {offsets = [0, 1], sizes = [2560, 1], strides = [1, 1]} : vector<2560x3xf32> to vector<2560x1xf32>
    %mul3A_69 = arith.mulf %slice3A_68, %div3A_66 : vector<2560x1xf32>
    %slice3A_70 = vector.extract_strided_slice %get3A_57 {offsets = [0, 2], sizes = [2560, 1], strides = [1, 1]} : vector<2560x3xf32> to vector<2560x1xf32>
    %mul3A_71 = arith.mulf %slice3A_70, %div3A_66 : vector<2560x1xf32>
    %get3A_72 = arith.constant 0 : index
    %get3A_73 = arith.constant 0 : index
    %get3A_74 = vector.load %arg3[%get3A_72, %get3A_73] : memref<2560x64xf32, #tpu.memory_space<vmem>>, vector<2560x64xf32>
    %mul3A_75 = arith.mulf %get3A_74, %dot_general3A_54 : vector<2560x64xf32>
    %get3A_76 = arith.constant 0 : index
    %get3A_77 = arith.constant 0 : index
    %get3A_78 = vector.load %arg6[%get3A_76, %get3A_77] : memref<64x576xf32, #tpu.memory_space<vmem>>, vector<64x576xf32>
    %dot_general3A_79 = arith.constant dense<0.000000e+00> : vector<2560x576xf32>
    %dot_general3A_80 = tpu.matmul %mul3A_75, %get3A_78, %dot_general3A_79 {dimension_numbers = #tpu.dot_dimension_numbers<[1], [0], [0], [1], [0, 0, 1, 1], [], []>, transpose_lhs_hint = false} : vector<2560x64xf32>, vector<64x576xf32>, vector<2560x576xf32> -> vector<2560x576xf32>
    %mul3A_81 = arith.constant 1.73205078 : f32
    %mul3A_82 = vector.broadcast %mul3A_81 : f32 to vector<2560x1xf32>
    %mul3A_83 = arith.mulf %mul3A_82, %mul3A_67 : vector<2560x1xf32>
    %mul3A_84 = arith.constant 1.73205078 : f32
    %mul3A_85 = vector.broadcast %mul3A_84 : f32 to vector<2560x1xf32>
    %mul3A_86 = arith.mulf %mul3A_85, %mul3A_69 : vector<2560x1xf32>
    %mul3A_87 = arith.constant 1.73205078 : f32
    %mul3A_88 = vector.broadcast %mul3A_87 : f32 to vector<2560x1xf32>
    %mul3A_89 = arith.mulf %mul3A_88, %mul3A_71 : vector<2560x1xf32>
    %mul3A_90 = arith.constant 3.87298346 : f32
    %mul3A_91 = vector.broadcast %mul3A_90 : f32 to vector<2560x1xf32>
    %mul3A_92 = arith.mulf %mul3A_91, %mul3A_67 : vector<2560x1xf32>
    %mul3A_93 = arith.mulf %mul3A_92, %mul3A_69 : vector<2560x1xf32>
    %mul3A_94 = arith.constant 3.87298346 : f32
    %mul3A_95 = vector.broadcast %mul3A_94 : f32 to vector<2560x1xf32>
    %mul3A_96 = arith.mulf %mul3A_95, %mul3A_69 : vector<2560x1xf32>
    %mul3A_97 = arith.mulf %mul3A_96, %mul3A_71 : vector<2560x1xf32>
    %mul3A_98 = arith.constant 3.000000e+00 : f32
    %mul3A_99 = vector.broadcast %mul3A_98 : f32 to vector<2560x1xf32>
    %mul3A_100 = arith.mulf %mul3A_99, %mul3A_71 : vector<2560x1xf32>
    %mul3A_101 = arith.mulf %mul3A_100, %mul3A_71 : vector<2560x1xf32>
    %sub3A_102 = arith.constant 1.000000e+00 : f32
    %sub3A_103 = vector.broadcast %sub3A_102 : f32 to vector<2560x1xf32>
    %sub3A_104 = arith.subf %mul3A_101, %sub3A_103 : vector<2560x1xf32>
    %mul3A_105 = arith.constant 1.11803401 : f32
    %mul3A_106 = vector.broadcast %mul3A_105 : f32 to vector<2560x1xf32>
    %mul3A_107 = arith.mulf %mul3A_106, %sub3A_104 : vector<2560x1xf32>
    %mul3A_108 = arith.constant 3.87298346 : f32
    %mul3A_109 = vector.broadcast %mul3A_108 : f32 to vector<2560x1xf32>
    %mul3A_110 = arith.mulf %mul3A_109, %mul3A_67 : vector<2560x1xf32>
    %mul3A_111 = arith.mulf %mul3A_110, %mul3A_71 : vector<2560x1xf32>
    %mul3A_112 = arith.mulf %mul3A_67, %mul3A_67 : vector<2560x1xf32>
    %mul3A_113 = arith.mulf %mul3A_69, %mul3A_69 : vector<2560x1xf32>
    %sub3A_114 = arith.subf %mul3A_112, %mul3A_113 : vector<2560x1xf32>
    %mul3A_115 = arith.constant 1.93649173 : f32
    %mul3A_116 = vector.broadcast %mul3A_115 : f32 to vector<2560x1xf32>
    %mul3A_117 = arith.mulf %mul3A_116, %sub3A_114 : vector<2560x1xf32>
    %slice3A_118 = vector.extract_strided_slice %dot_general3A_80 {offsets = [0, 0], sizes = [2560, 64], strides = [1, 1]} : vector<2560x576xf32> to vector<2560x64xf32>
    %slice3A_119 = vector.extract_strided_slice %dot_general3A_80 {offsets = [0, 64], sizes = [2560, 64], strides = [1, 1]} : vector<2560x576xf32> to vector<2560x64xf32>
    %mul3A_120 = vector.broadcast %mul3A_83 : vector<2560x1xf32> to vector<2560x64xf32>
    %mul3A_121 = arith.mulf %slice3A_119, %mul3A_120 : vector<2560x64xf32>
    %add3A_122 = arith.addf %slice3A_118, %mul3A_121 : vector<2560x64xf32>
    %slice3A_123 = vector.extract_strided_slice %dot_general3A_80 {offsets = [0, 128], sizes = [2560, 64], strides = [1, 1]} : vector<2560x576xf32> to vector<2560x64xf32>
    %mul3A_124 = vector.broadcast %mul3A_86 : vector<2560x1xf32> to vector<2560x64xf32>
    %mul3A_125 = arith.mulf %slice3A_123, %mul3A_124 : vector<2560x64xf32>
    %add3A_126 = arith.addf %add3A_122, %mul3A_125 : vector<2560x64xf32>
    %slice3A_127 = vector.extract_strided_slice %dot_general3A_80 {offsets = [0, 192], sizes = [2560, 64], strides = [1, 1]} : vector<2560x576xf32> to vector<2560x64xf32>
    %mul3A_128 = vector.broadcast %mul3A_89 : vector<2560x1xf32> to vector<2560x64xf32>
    %mul3A_129 = arith.mulf %slice3A_127, %mul3A_128 : vector<2560x64xf32>
    %add3A_130 = arith.addf %add3A_126, %mul3A_129 : vector<2560x64xf32>
    %slice3A_131 = vector.extract_strided_slice %dot_general3A_80 {offsets = [0, 256], sizes = [2560, 64], strides = [1, 1]} : vector<2560x576xf32> to vector<2560x64xf32>
    %mul3A_132 = vector.broadcast %mul3A_93 : vector<2560x1xf32> to vector<2560x64xf32>
    %mul3A_133 = arith.mulf %slice3A_131, %mul3A_132 : vector<2560x64xf32>
    %add3A_134 = arith.addf %add3A_130, %mul3A_133 : vector<2560x64xf32>
    %slice3A_135 = vector.extract_strided_slice %dot_general3A_80 {offsets = [0, 320], sizes = [2560, 64], strides = [1, 1]} : vector<2560x576xf32> to vector<2560x64xf32>
    %mul3A_136 = vector.broadcast %mul3A_97 : vector<2560x1xf32> to vector<2560x64xf32>
    %mul3A_137 = arith.mulf %slice3A_135, %mul3A_136 : vector<2560x64xf32>
    %add3A_138 = arith.addf %add3A_134, %mul3A_137 : vector<2560x64xf32>
    %slice3A_139 = vector.extract_strided_slice %dot_general3A_80 {offsets = [0, 384], sizes = [2560, 64], strides = [1, 1]} : vector<2560x576xf32> to vector<2560x64xf32>
    %mul3A_140 = vector.broadcast %mul3A_107 : vector<2560x1xf32> to vector<2560x64xf32>
    %mul3A_141 = arith.mulf %slice3A_139, %mul3A_140 : vector<2560x64xf32>
    %add3A_142 = arith.addf %add3A_138, %mul3A_141 : vector<2560x64xf32>
    %slice3A_143 = vector.extract_strided_slice %dot_general3A_80 {offsets = [0, 448], sizes = [2560, 64], strides = [1, 1]} : vector<2560x576xf32> to vector<2560x64xf32>
    %mul3A_144 = vector.broadcast %mul3A_111 : vector<2560x1xf32> to vector<2560x64xf32>
    %mul3A_145 = arith.mulf %slice3A_143, %mul3A_144 : vector<2560x64xf32>
    %add3A_146 = arith.addf %add3A_142, %mul3A_145 : vector<2560x64xf32>
    %slice3A_147 = vector.extract_strided_slice %dot_general3A_80 {offsets = [0, 512], sizes = [2560, 64], strides = [1, 1]} : vector<2560x576xf32> to vector<2560x64xf32>
    %mul3A_148 = vector.broadcast %mul3A_117 : vector<2560x1xf32> to vector<2560x64xf32>
    %mul3A_149 = arith.mulf %slice3A_147, %mul3A_148 : vector<2560x64xf32>
    %add3A_150 = arith.addf %add3A_146, %mul3A_149 : vector<2560x64xf32>
    %swap3A = arith.constant 0 : index
    %swap3A_151 = arith.constant 0 : index
    %swap3A_152 = vector.load %arg7[%swap3A, %swap3A_151] : memref<2560x64xf32, #tpu.memory_space<vmem>>, vector<2560x64xf32>
    tpu.vector_store %arg7[%swap3A, %swap3A_151], %add3A_150 {strides = array<i32>} : memref<2560x64xf32, #tpu.memory_space<vmem>>, vector<2560x64xf32>,
    return
  }
  func.func @transform_0(%arg0: i32) -> (i32, i32) {
    %c0_i32 = arith.constant 0 : i32
    %c0_i32_0 = arith.constant 0 : i32
    return %arg0, %c0_i32 : i32, i32
  }
  func.func @transform_1(%arg0: i32) -> (i32, i32) {
    %c0_i32 = arith.constant 0 : i32
    %c0_i32_0 = arith.constant 0 : i32
    return %arg0, %c0_i32 : i32, i32
  }
  func.func @transform_2(%arg0: i32) -> (i32, i32) {
    %c0_i32 = arith.constant 0 : i32
    %c0_i32_0 = arith.constant 0 : i32
    return %arg0, %c0_i32 : i32, i32
  }
  func.func @transform_3(%arg0: i32) -> (i32, i32) {
    %c0_i32 = arith.constant 0 : i32
    %c0_i32_0 = arith.constant 0 : i32
    %c0_i32_1 = arith.constant 0 : i32
    return %c0_i32, %c0_i32_0 : i32, i32
  }
  func.func @transform_4(%arg0: i32) -> (i32, i32) {
    %c0_i32 = arith.constant 0 : i32
    %c0_i32_0 = arith.constant 0 : i32
    %c0_i32_1 = arith.constant 0 : i32
    return %c0_i32, %c0_i32_0 : i32, i32
  }
  func.func @transform_5(%arg0: i32) -> (i32, i32) {
    %c0_i32 = arith.constant 0 : i32
    %c0_i32_0 = arith.constant 0 : i32
    %c0_i32_1 = arith.constant 0 : i32
    return %c0_i32, %c0_i32_0 : i32, i32
  }
  func.func @transform_6(%arg0: i32) -> (i32, i32) {
    %c0_i32 = arith.constant 0 : i32
    %c0_i32_0 = arith.constant 0 : i32
    return %arg0, %c0_i32 : i32, i32
  }
}

module attributes {stable_mosaic.version = 14 : i64} {
  func.func @_node_body(%arg0: i32, %arg1: memref<2x2000x64xf32, #tpu.memory_space<vmem>>, %arg2: memref<2000x64xf32, #tpu.memory_space<vmem>>, %arg3: memref<2000x4xf32, #tpu.memory_space<vmem>>, %arg4: memref<4x64xf32, #tpu.memory_space<vmem>>, %arg5: memref<4x64xf32, #tpu.memory_space<vmem>>, %arg6: memref<64x64xf32, #tpu.memory_space<vmem>>, %arg7: memref<2000x64xf32, #tpu.memory_space<vmem>>) attributes {dimension_semantics = [#tpu.dimension_semantics<arbitrary>], iteration_bounds = array<i64: 5>, scalar_prefetch = 0 : i64, scratch_operands = 0 : i64, tpu.core_type = #tpu.core_type<tc>, window_params = [{transform_indices = @transform_0, window_bounds = array<i64: 2, 2000, 64>}, {transform_indices = @transform_1, window_bounds = array<i64: 2000, 64>}, {transform_indices = @transform_2, window_bounds = array<i64: 2000, 4>}, {pipeline_mode = #tpu.pipeline_mode<synchronous>, transform_indices = @transform_3, window_bounds = array<i64: 4, 64>}, {pipeline_mode = #tpu.pipeline_mode<synchronous>, transform_indices = @transform_4, window_bounds = array<i64: 4, 64>}, {pipeline_mode = #tpu.pipeline_mode<synchronous>, transform_indices = @transform_5, window_bounds = array<i64: 64, 64>}, {transform_indices = @transform_6, window_bounds = array<i64: 2000, 64>}]} {
    %get3A = arith.constant 0 : index
    %get3A_0 = arith.constant 0 : index
    %get3A_1 = arith.constant 0 : index
    %get3A_2 = vector.load %arg1[%get3A, %get3A_0, %get3A_1] : memref<2x2000x64xf32, #tpu.memory_space<vmem>>, vector<1x2000x64xf32>
    %get3A_3 = vector.shape_cast %get3A_2 : vector<1x2000x64xf32> to vector<2000x64xf32>
    %get3A_4 = arith.constant 1 : index
    %get3A_5 = arith.constant 0 : index
    %get3A_6 = arith.constant 0 : index
    %get3A_7 = vector.load %arg1[%get3A_4, %get3A_5, %get3A_6] : memref<2x2000x64xf32, #tpu.memory_space<vmem>>, vector<1x2000x64xf32>
    %get3A_8 = vector.shape_cast %get3A_7 : vector<1x2000x64xf32> to vector<2000x64xf32>
    %add3A = arith.addf %get3A_3, %get3A_8 : vector<2000x64xf32>
    %mul3A = arith.constant 3.125000e-02 : f32
    %mul3A_9 = vector.broadcast %mul3A : f32 to vector<2000x64xf32>
    %mul3A_10 = arith.mulf %add3A, %mul3A_9 : vector<2000x64xf32>
    %get3A_11 = arith.constant 0 : index
    %get3A_12 = arith.constant 0 : index
    %get3A_13 = vector.load %arg3[%get3A_11, %get3A_12] : memref<2000x4xf32, #tpu.memory_space<vmem>>, vector<2000x4xf32>
    %get3A_14 = arith.constant 0 : index
    %get3A_15 = arith.constant 0 : index
    %get3A_16 = vector.load %arg4[%get3A_14, %get3A_15] : memref<4x64xf32, #tpu.memory_space<vmem>>, vector<4x64xf32>
    %slice3A = vector.extract_strided_slice %get3A_13 {offsets = [0, 0], sizes = [2000, 1], strides = [1, 1]} : vector<2000x4xf32> to vector<2000x1xf32>
    %slice3A_17 = vector.extract_strided_slice %get3A_16 {offsets = [0, 0], sizes = [1, 64], strides = [1, 1]} : vector<4x64xf32> to vector<1x64xf32>
    %mul3A_18 = vector.broadcast %slice3A : vector<2000x1xf32> to vector<2000x64xf32>
    %mul3A_19 = vector.broadcast %slice3A_17 : vector<1x64xf32> to vector<2000x64xf32>
    %mul3A_20 = arith.mulf %mul3A_18, %mul3A_19 : vector<2000x64xf32>
    %add3A_21 = arith.constant 0.000000e+00 : f32
    %add3A_22 = vector.broadcast %add3A_21 : f32 to vector<2000x64xf32>
    %add3A_23 = arith.addf %add3A_22, %mul3A_20 : vector<2000x64xf32>
    %slice3A_24 = vector.extract_strided_slice %get3A_13 {offsets = [0, 1], sizes = [2000, 1], strides = [1, 1]} : vector<2000x4xf32> to vector<2000x1xf32>
    %slice3A_25 = vector.extract_strided_slice %get3A_16 {offsets = [1, 0], sizes = [1, 64], strides = [1, 1]} : vector<4x64xf32> to vector<1x64xf32>
    %mul3A_26 = vector.broadcast %slice3A_24 : vector<2000x1xf32> to vector<2000x64xf32>
    %mul3A_27 = vector.broadcast %slice3A_25 : vector<1x64xf32> to vector<2000x64xf32>
    %mul3A_28 = arith.mulf %mul3A_26, %mul3A_27 : vector<2000x64xf32>
    %add3A_29 = arith.addf %add3A_23, %mul3A_28 : vector<2000x64xf32>
    %slice3A_30 = vector.extract_strided_slice %get3A_13 {offsets = [0, 2], sizes = [2000, 1], strides = [1, 1]} : vector<2000x4xf32> to vector<2000x1xf32>
    %slice3A_31 = vector.extract_strided_slice %get3A_16 {offsets = [2, 0], sizes = [1, 64], strides = [1, 1]} : vector<4x64xf32> to vector<1x64xf32>
    %mul3A_32 = vector.broadcast %slice3A_30 : vector<2000x1xf32> to vector<2000x64xf32>
    %mul3A_33 = vector.broadcast %slice3A_31 : vector<1x64xf32> to vector<2000x64xf32>
    %mul3A_34 = arith.mulf %mul3A_32, %mul3A_33 : vector<2000x64xf32>
    %add3A_35 = arith.addf %add3A_29, %mul3A_34 : vector<2000x64xf32>
    %slice3A_36 = vector.extract_strided_slice %get3A_13 {offsets = [0, 3], sizes = [2000, 1], strides = [1, 1]} : vector<2000x4xf32> to vector<2000x1xf32>
    %slice3A_37 = vector.extract_strided_slice %get3A_16 {offsets = [3, 0], sizes = [1, 64], strides = [1, 1]} : vector<4x64xf32> to vector<1x64xf32>
    %mul3A_38 = vector.broadcast %slice3A_36 : vector<2000x1xf32> to vector<2000x64xf32>
    %mul3A_39 = vector.broadcast %slice3A_37 : vector<1x64xf32> to vector<2000x64xf32>
    %mul3A_40 = arith.mulf %mul3A_38, %mul3A_39 : vector<2000x64xf32>
    %add3A_41 = arith.addf %add3A_35, %mul3A_40 : vector<2000x64xf32>
    %get3A_42 = arith.constant 0 : index
    %get3A_43 = arith.constant 0 : index
    %get3A_44 = vector.load %arg5[%get3A_42, %get3A_43] : memref<4x64xf32, #tpu.memory_space<vmem>>, vector<4x64xf32>
    %slice3A_45 = vector.extract_strided_slice %get3A_13 {offsets = [0, 0], sizes = [2000, 1], strides = [1, 1]} : vector<2000x4xf32> to vector<2000x1xf32>
    %slice3A_46 = vector.extract_strided_slice %get3A_44 {offsets = [0, 0], sizes = [1, 64], strides = [1, 1]} : vector<4x64xf32> to vector<1x64xf32>
    %mul3A_47 = vector.broadcast %slice3A_45 : vector<2000x1xf32> to vector<2000x64xf32>
    %mul3A_48 = vector.broadcast %slice3A_46 : vector<1x64xf32> to vector<2000x64xf32>
    %mul3A_49 = arith.mulf %mul3A_47, %mul3A_48 : vector<2000x64xf32>
    %add3A_50 = arith.constant 0.000000e+00 : f32
    %add3A_51 = vector.broadcast %add3A_50 : f32 to vector<2000x64xf32>
    %add3A_52 = arith.addf %add3A_51, %mul3A_49 : vector<2000x64xf32>
    %slice3A_53 = vector.extract_strided_slice %get3A_13 {offsets = [0, 1], sizes = [2000, 1], strides = [1, 1]} : vector<2000x4xf32> to vector<2000x1xf32>
    %slice3A_54 = vector.extract_strided_slice %get3A_44 {offsets = [1, 0], sizes = [1, 64], strides = [1, 1]} : vector<4x64xf32> to vector<1x64xf32>
    %mul3A_55 = vector.broadcast %slice3A_53 : vector<2000x1xf32> to vector<2000x64xf32>
    %mul3A_56 = vector.broadcast %slice3A_54 : vector<1x64xf32> to vector<2000x64xf32>
    %mul3A_57 = arith.mulf %mul3A_55, %mul3A_56 : vector<2000x64xf32>
    %add3A_58 = arith.addf %add3A_52, %mul3A_57 : vector<2000x64xf32>
    %slice3A_59 = vector.extract_strided_slice %get3A_13 {offsets = [0, 2], sizes = [2000, 1], strides = [1, 1]} : vector<2000x4xf32> to vector<2000x1xf32>
    %slice3A_60 = vector.extract_strided_slice %get3A_44 {offsets = [2, 0], sizes = [1, 64], strides = [1, 1]} : vector<4x64xf32> to vector<1x64xf32>
    %mul3A_61 = vector.broadcast %slice3A_59 : vector<2000x1xf32> to vector<2000x64xf32>
    %mul3A_62 = vector.broadcast %slice3A_60 : vector<1x64xf32> to vector<2000x64xf32>
    %mul3A_63 = arith.mulf %mul3A_61, %mul3A_62 : vector<2000x64xf32>
    %add3A_64 = arith.addf %add3A_58, %mul3A_63 : vector<2000x64xf32>
    %slice3A_65 = vector.extract_strided_slice %get3A_13 {offsets = [0, 3], sizes = [2000, 1], strides = [1, 1]} : vector<2000x4xf32> to vector<2000x1xf32>
    %slice3A_66 = vector.extract_strided_slice %get3A_44 {offsets = [3, 0], sizes = [1, 64], strides = [1, 1]} : vector<4x64xf32> to vector<1x64xf32>
    %mul3A_67 = vector.broadcast %slice3A_65 : vector<2000x1xf32> to vector<2000x64xf32>
    %mul3A_68 = vector.broadcast %slice3A_66 : vector<1x64xf32> to vector<2000x64xf32>
    %mul3A_69 = arith.mulf %mul3A_67, %mul3A_68 : vector<2000x64xf32>
    %add3A_70 = arith.addf %add3A_64, %mul3A_69 : vector<2000x64xf32>
    %mul3A_71 = arith.mulf %mul3A_10, %mul3A_10 : vector<2000x64xf32>
    %get3A_72 = arith.constant 0 : index
    %get3A_73 = arith.constant 0 : index
    %get3A_74 = vector.load %arg6[%get3A_72, %get3A_73] : memref<64x64xf32, #tpu.memory_space<vmem>>, vector<64x64xf32>
    %dot_general3A = arith.constant dense<0.000000e+00> : vector<2000x64xf32>
    %dot_general3A_75 = tpu.matmul %mul3A_71, %get3A_74, %dot_general3A {dimension_numbers = #tpu.dot_dimension_numbers<[1], [0], [0], [1], [0, 0, 1, 1], [], []>, transpose_lhs_hint = false} : vector<2000x64xf32>, vector<64x64xf32>, vector<2000x64xf32> -> vector<2000x64xf32>
    %mul3A_76 = arith.mulf %mul3A_10, %add3A_41 : vector<2000x64xf32>
    %add3A_77 = arith.addf %mul3A_76, %dot_general3A_75 : vector<2000x64xf32>
    %get3A_78 = arith.constant 0 : index
    %get3A_79 = arith.constant 0 : index
    %get3A_80 = vector.load %arg2[%get3A_78, %get3A_79] : memref<2000x64xf32, #tpu.memory_space<vmem>>, vector<2000x64xf32>
    %mul3A_81 = arith.mulf %get3A_80, %add3A_70 : vector<2000x64xf32>
    %add3A_82 = arith.addf %add3A_77, %mul3A_81 : vector<2000x64xf32>
    %swap3A = arith.constant 0 : index
    %swap3A_83 = arith.constant 0 : index
    %swap3A_84 = vector.load %arg7[%swap3A, %swap3A_83] : memref<2000x64xf32, #tpu.memory_space<vmem>>, vector<2000x64xf32>
    tpu.vector_store %arg7[%swap3A, %swap3A_83], %add3A_82 {strides = array<i32>} : memref<2000x64xf32, #tpu.memory_space<vmem>>, vector<2000x64xf32>,
    return
  }
  func.func @transform_0(%arg0: i32) -> (i32, i32, i32) {
    %c0_i32 = arith.constant 0 : i32
    %c0_i32_0 = arith.constant 0 : i32
    %c0_i32_1 = arith.constant 0 : i32
    return %c0_i32, %arg0, %c0_i32_0 : i32, i32, i32
  }
  func.func @transform_1(%arg0: i32) -> (i32, i32) {
    %c0_i32 = arith.constant 0 : i32
    %c0_i32_0 = arith.constant 0 : i32
    return %arg0, %c0_i32 : i32, i32
  }
  func.func @transform_2(%arg0: i32) -> (i32, i32) {
    %c0_i32 = arith.constant 0 : i32
    %c0_i32_0 = arith.constant 0 : i32
    return %arg0, %c0_i32 : i32, i32
  }
  func.func @transform_3(%arg0: i32) -> (i32, i32) {
    %c0_i32 = arith.constant 0 : i32
    %c0_i32_0 = arith.constant 0 : i32
    %c0_i32_1 = arith.constant 0 : i32
    return %c0_i32, %c0_i32_0 : i32, i32
  }
  func.func @transform_4(%arg0: i32) -> (i32, i32) {
    %c0_i32 = arith.constant 0 : i32
    %c0_i32_0 = arith.constant 0 : i32
    %c0_i32_1 = arith.constant 0 : i32
    return %c0_i32, %c0_i32_0 : i32, i32
  }
  func.func @transform_5(%arg0: i32) -> (i32, i32) {
    %c0_i32 = arith.constant 0 : i32
    %c0_i32_0 = arith.constant 0 : i32
    %c0_i32_1 = arith.constant 0 : i32
    return %c0_i32, %c0_i32_0 : i32, i32
  }
  func.func @transform_6(%arg0: i32) -> (i32, i32) {
    %c0_i32 = arith.constant 0 : i32
    %c0_i32_0 = arith.constant 0 : i32
    return %arg0, %c0_i32 : i32, i32
  }
}

</mosaic_0001>

<sc_bundles>
// kernel: kernel.11.cloned.1.call-start
scs
__scs_entry_jumppad:
0x0: {  	(pc) =	sbr.rel $0x88, $3  }
0x1: {  	(tag) =	ssettag $0x0;
	lr =	simm.s32 $0x1  }
0x2: {  	[smem:$0x3F96] =	sst lr;
	_ =	strace $0xD0000000  }
0x3: {  	_ = 	snop  }
0x4: {  	_ = 	snop  }
0x5: {  	_ = 	snop  }
0x6: {  	_ = 	snop  }
0x7: {  	_ = 	snop  }
__scs_overlays_trampoline_lowered:
0x8: {  	[smem:$0x3FA5] =	sst s0  }
0x9: {  	[smem:$0x3FA6] =	sst s1  }
0xa: {  	[smem:$0x3FA7] =	sst s2  }
0xb: {  	[smem:$0x3FA8] =	sst s3  }
0xc: {  	[smem:$0x3FA9] =	sst s4  }
0xd: {  	[smem:$0x3FAA] =	sst s5  }
0xe: {  	[smem:$0x3FAB] =	sst s6  }
0xf: {  	[smem:$0x3FAC] =	sst s7  }
0x10: {  	[smem:$0x3FAD] =	sst s8  }
0x11: {  	[smem:$0x3FAE] =	sst s9;
	s0 =	simm.s32 @!p0 $0x0  }
0x12: {  	s1 =	sld [smem:$0x3F94];
	s0 =	simm.s32 @p0 $0x1  }
0x13: {  	[smem:$0x3FAF] =	sst s0;
	s0 =	simm.s32 @!p1 $0x0  }
0x14: {  	s2 =	sld [smem:$0x3F93];
	s0 =	simm.s32 @p1 $0x1  }
0x15: {  	[smem:$0x3FB0] =	sst s0;
	s0 =	simm.s32 @!p2 $0x0  }
0x16: {  	s3 =	sld [smem:$0x3FDB];
	s0 =	simm.s32 @p2 $0x1  }
0x17: {  	s4 =	simm.s32 $0x1BF5;
	[smem:$0x3FB2] =	sst s0  }
0x18: {  	s0 =	sld [smem:$0x3F95];
	_ =	swait.ge [sflag:s4], $0x0  }
0x19: {  	s7 =	sld [smem:$0x3F96]  }
0x1a: {  	s8 =	sadd.s32 $0xFFFFE003, lr  }
0x1b: {  	s9 =	sadd.s32 $0xFFFFFEF7, lr;
	s5 =	simm.s32 $0xFFFFFFFF;
	p2 =	slt.u32 s8, $0xFFFFF086  }
0x1c: {  	p1 =	slt.u32 s9, $0xF7A;
	s5 =	simm.s32 @!p2 $0x0  }
0x1d: {  	s5 =	simm.s32 @p1 $0x1;
	p0 =	seq.s32 s7, s2  }
0x1e: {  	s7 =	smul.u32 @!p0 $0xF7A, s2;
	p2 =	seq.s32 @!p0 s5, $0x0  }
0x1f: {  	s9 =	smul.u32 $0xF7A, s1;
	s8 =	simm.s32 @!p0 $0x1BF5;
	p2 =	por !p2, p0  }
0x20: {  	[sflag:s8] =	ssyncset.s32 @!p0 $0xFFFFF086;
	s6 =	sadd.s32 @!p0 s3, s7;
	s7 =	simm.s32 @!p0 $0x108  }
0x21: {  	s3 =	sadd.s32 s3, s9;
	s6 =	sadd.s32 @!p0 $0x88, s6;
	s7 =	simm.s32 @p2 $0x1082  }
0x22: {  	[simem:s7], [sflag:s8] =	dma.local @!p0 [hbm:s6], $0xF7A  }
0x23: {  	s9 =	sor.u32 $0xD0000000, s2;
	s6 =	simm.s32 $0x108;
	_ =	swait.ge @!p0 [sflag:s8], $0x0  }
0x24: {  	s3 =	sadd.s32 $0x88, s3;
	s6 =	simm.s32 @!p1 $0x1082;
	[sflag:s4] =	ssyncset.s32 $0xFFFFF086  }
0x25: {  	[simem:s6], [sflag:s4] =	dma.local [hbm:s3], $0xF7A  }
0x26: {  	[smem:$0x3F96] =	sst s1;
	(tag) =	ssettag s2;
	_ =	strace s9  }
0x27: {  	s1 =	sld [smem:$0x3FA6]  }
0x28: {  	s2 =	sld [smem:$0x3FA7]  }
0x29: {  	s4 =	sld [smem:$0x3FA9]  }
0x2a: {  	p0 =	seq.s32 s5, $0x0;
	s5 =	sld [smem:$0x3FAA]  }
0x2b: {  	s6 =	sld [smem:$0x3FAB]  }
0x2c: {  	s7 =	sld [smem:$0x3FAC]  }
0x2d: {  	s3 =	simm.s32 $0x108;
	s8 =	sld [smem:$0x3FAD]  }
0x2e: {  	s3 =	simm.s32 @!p0 $0x1082;
	s9 =	sld [smem:$0x3FAE]  }
0x2f: {  	lr =	sadd.s32 s0, s3;
	s0 =	sld [smem:$0x3FA5]  }
0x30: {  	s3 =	sld [smem:$0x3FA8]  }
0x31: {  	[smem:$0x3FB1] =	sst s10  }
0x32: {  	s10 =	sld [smem:$0x3FAF];
	_ =	sdelay $0x3  }
0x33: {  	p0 =	seq.s32 s10, $0x1;
	s10 =	sld [smem:$0x3FB1];
	_ =	sdelay $0x3  }
0x34: {  	[smem:$0x3FB1] =	sst s10  }
0x35: {  	s10 =	sld [smem:$0x3FB0];
	_ =	sdelay $0x3  }
0x36: {  	p1 =	seq.s32 s10, $0x1;
	s10 =	sld [smem:$0x3FB1];
	_ =	sdelay $0x3  }
0x37: {  	[smem:$0x3FB1] =	sst s10  }
0x38: {  	s10 =	sld [smem:$0x3FB2]  }
0x39: {  	_ = 	snop;
	(pc) =	sbr.ind lr, $3  }
0x3a: {  	_ = 	snop  }
0x3b: {  	_ = 	snop  }
0x3c: {  	p2 =	seq.s32 s10, $0x1;
	s10 =	sld [smem:$0x3FB1]  }
0x3d: {  	_ =	shalt  }
0x3e: {  	_ =	shalt  }
0x3f: {  	_ =	shalt  }
0x40: {  	_ =	shalt  }
0x41: {  	_ =	shalt  }
0x42: {  	_ =	shalt  }
0x43: {  	_ =	shalt  }
0x44: {  	_ =	shalt  }
0x45: {  	_ =	shalt  }
0x46: {  	_ =	shalt  }
0x47: {  	_ =	shalt  }
0x48: {  	_ =	shalt  }
0x49: {  	_ =	shalt  }
0x4a: {  	_ =	shalt  }
0x4b: {  	_ =	shalt  }
0x4c: {  	_ =	shalt  }
0x4d: {  	_ =	shalt  }
0x4e: {  	_ =	shalt  }
0x4f: {  	_ =	shalt  }
0x50: {  	_ =	shalt  }
0x51: {  	_ =	shalt  }
0x52: {  	_ =	shalt  }
0x53: {  	_ =	shalt  }
0x54: {  	_ =	shalt  }
0x55: {  	_ =	shalt  }
0x56: {  	_ =	shalt  }
0x57: {  	_ =	shalt  }
0x58: {  	_ =	shalt  }
0x59: {  	_ =	shalt  }
0x5a: {  	_ =	shalt  }
0x5b: {  	_ =	shalt  }
0x5c: {  	_ =	shalt  }
0x5d: {  	_ =	shalt  }
0x5e: {  	_ =	shalt  }
0x5f: {  	_ =	shalt  }
0x60: {  	_ =	shalt  }
0x61: {  	_ =	shalt  }
0x62: {  	_ =	shalt  }
0x63: {  	_ =	shalt  }
0x64: {  	_ =	shalt  }
0x65: {  	_ =	shalt  }
0x66: {  	_ =	shalt  }
0x67: {  	_ =	shalt  }
0x68: {  	_ =	shalt  }
0x69: {  	_ =	shalt  }
0x6a: {  	_ =	shalt  }
0x6b: {  	_ =	shalt  }
0x6c: {  	_ =	shalt  }
0x6d: {  	_ =	shalt  }
0x6e: {  	_ =	shalt  }
0x6f: {  	_ =	shalt  }
0x70: {  	_ =	shalt  }
0x71: {  	_ =	shalt  }
0x72: {  	_ =	shalt  }
0x73: {  	_ =	shalt  }
0x74: {  	_ =	shalt  }
0x75: {  	_ =	shalt  }
0x76: {  	_ =	shalt  }
0x77: {  	_ =	shalt  }
0x78: {  	_ =	shalt  }
0x79: {  	_ =	shalt  }
0x7a: {  	_ =	shalt  }
0x7b: {  	_ =	shalt  }
0x7c: {  	_ =	shalt  }
0x7d: {  	_ =	shalt  }
0x7e: {  	_ =	shalt  }
0x7f: {  	_ =	shalt  }
0x80: {  	_ =	shalt  }
0x81: {  	_ =	shalt  }
0x82: {  	_ =	shalt  }
0x83: {  	_ =	shalt  }
0x84: {  	_ =	shalt  }
0x85: {  	_ =	shalt  }
0x86: {  	_ =	shalt  }
0x87: {  	_ =	shalt  }
.Lfunc_end0:
.L_simem_size_0:
called_computation_lowered:
.L_overlay_start_0:
0x88: {  	s2 =	sld [smem:$0x3FD9]  }
0x89: {  	s3 =	sld [smem:$0x3FFE];
	_ =	sdelay $0x1  }
0x8a: {  	s1 =	srdreg.scid  }
0x8b: {  	s0 =	sand.u32 $0x1, s1  }
0x8c: {  	s16 =	sshll.u32 s0, $0xA;
	s2 =	sadd.s32 s3, s2  }
0x8d: {  	s2 =	sadd.s32 s2, s16  }
0x8e: {  	[smem:$0x3FBD] =	sst s2  }
0x8f: {  	_ = 	snop  }
0x90: {  	(tm) =	ssettm $0x1  }
0x91: {  	s17 =	sld [smem:$0x3FFB];
	_ =	sdelay $0x3  }
0x92: {  	_ =	strace s17  }
0x93: {  	s2 =	sld [smem:$0x3FFC];
	_ =	sdelay $0x3  }
0x94: {  	_ =	strace s2  }
0x95: {  	s2 =	sld [smem:$0x3FFD];
	_ =	sdelay $0x3  }
0x96: {  	_ =	strace s2  }
0x97: {  	_ =	strace $0x8FFFFFFF  }
0x98: {  	s18 =	sld [smem:$0x3FDB];
	_ =	sdelay $0x1  }
0x99: {  	s19 =	simm.s32 $_scs_section_size  }
0x9a: {  	s4 =	simm.s32 $_size__tile_overlayer_lowered;
	s5 =	simm.s32 $_tile_overlayer_lowered  }
0x9b: {  	s22 =	simm.s32 $0x1BFF;
	s21 =	sshll.u32 s5, $0x1;
	s2 =	sadd.s32 s19, s18  }
0x9c: {  	s6 =	simm.s32 $0x0;
	s20 =	sshll.u32 s4, $0x1;
	s4 =	sadd.s32 s21, s2  }
0x9d: {  	[timem:s6], [sflag:s22] =	dma.local [hbm:s4], s20  }
0x9e: {  	_ =	swait.ge [sflag:s22], s20  }
0x9f: {  	s3 =	ssub.s32 $0x0, s20;
	[sflag:s22] =	ssyncset.done $0x0  }
0xa0: {  	[sflag:s22] =	ssyncadd.s32 s3;
	_ =	sdelay $0x1  }
0xa1: {  	s23 =	simm.s32 $0x1B8B  }
0xa2: {  	_ =	swait.ge [sflag:s23], $0x1  }
0xa3: {  	[sflag:s23] =	ssyncset.done $0x0  }
0xa4: {  	s25 =	simm.s32 $0x1B8E;
	s24 =	sld [smem:$0x3FFE];
	[sflag:s23] =	ssyncadd.s32 $0xFFFFFFFF  }
0xa5: {  	s26 =	simm.s32 $execute0_lowered;
	[smem:$0x3FD2] =	sst s25  }
0xa6: {  	s4 =	sshll.u32 s26, $0x1;
	_ =	strace $0x80000046;
	[dreg:$0x1] =	wrdreg $0xFFFFFFFF  }
0xa7: {  	s28 =	simm.s32 $_size_execute0_lowered;
	s2 =	sadd.s32 s2, s4;
	[dreg:$0x0] =	wrdreg $0x0  }
0xa8: {  	s4 =	sshll.u32 s28, $0x1;
	[dreg:$0x2] =	wrdreg s2  }
0xa9: {  	[dreg:$0x3] =	wrdreg s4  }
0xaa: {  	[dreg:$0x4] =	wrdreg $0xC0  }
0xab: {  	_ =	task [dreg:s6], $0x5FFFF  }
0xac: {  	[dreg:$0x1] =	wrdreg $0xFFFFFFFF  }
0xad: {  	[dreg:$0x0] =	wrdreg $0x60  }
0xae: {  	[dreg:$0x2] =	wrdreg s24  }
0xaf: {  	[dreg:$0x3] =	wrdreg $0x9  }
0xb0: {  	_ =	task.clear_ibuf [dreg:s6], $0x4FFFF;
	_ =	strace $0x90000046  }
0xb1: {  	s29 =	simm.s32 $0x9;
	_ =	strace $0x80000048  }
0xb2: {  	_ =	swait.ge [sflag:s29], $0x1  }
0xb3: {  	[sflag:s29] =	ssyncadd.s32 $0xFFFFFFFF  }
0xb4: {  	_ =	strace $0x90000048  }
0xb5: {  	_ =	sfence  }
0xb6: {  	s30 =	sld [smem:$0x0];
	_ =	sdelay $0x2  }
0xb7: {  	s31 =	sshll.u32 s1, $0xD;
	s1 =	sshrl.u32 s1, $0x2  }
0xb8: {  	s3 =	sand.u32 $0x4000, s31;
	s1 =	sadd.s32 s1, s30  }
0xb9: {  	s0 =	sor.u32 s3, s0;
	s1 =	sshll.u32 s1, $0x11  }
0xba: {  	s0 =	sor.u32 s1, s0  }
0xbb: {  	s0 =	sadd.s32 $0x8F2B, s0  }
0xbc: {  	[sflag:s0] =	ssyncadd.remote.s32 $0x1  }
0xbd: {  	_ =	sfence.sel $0xFFFF  }
0xbe: {  	[dreg:$0x0] =	wrdreg $0xFFFFFFFF;
	(pc) =	sbr.abs _section_cstart, $3  }
0xbf: {  	[dreg:$0x1] =	wrdreg $0xFFFFFFFF  }
0xc0: {  	_ =	task.clear_ibuf [dreg:s6], $0x2FFFF;
	_ =	strace $0x9FFFFFFF  }
0xc1: {  	(tm) =	ssettm $0x7FFFFFFF  }
tec
execute0_lowered:
.L_overlay_start_1:
0x0: {  	(tag) =	ssettag $0x1  }
0x1: {  	s0 =	srdreg.scid;
	s5 =	rddreg [dreg:$0x0]  }
0x2: {  	s1 =	stileid.u32;
	s2 =	simm.s32 $0x0;
	s4 =	sand.u32 $0x1, s0  }
0x3: {  	s0 =	rddreg [dreg:$0x1];
	s11 =	smul.u32 $0x13880, s1;
	s3 =	sshll.u32 s4, $0x4  }
0x4: {  	[smem:$0x7FF] =	sst s2;
	s10 =	smul.u32 $0x138800, s4;
	s6 =	sor.u32 s1, s3  }
0x5: {  	s8 =	sadd.s32 $0x52E00, s5;
	s29 =	ssub.s32 $0x2, s4;
	s7 =	smul.u32 $0x2710, s6  }
0x6: {  	_ =	strace $0x80000047;
	s9 =	sshrl.u32 s29, $0x1;
	s6 =	smul.u32 $0x9C400, s6  }
0x7: {  	s3 =	sadd.s32 $0x2B800, s5;
	s9 =	ssub.s32 s29, s9;
	s31 =	sadd.s32 s10, s8  }
0x8: {  	s10 =	simm.s32 $0x1;
	s7 =	sshrl.u32 s7, $0x3;
	s6 =	sshrl.u32 s6, $0x3  }
0x9: {  	s7 =	sadd.s32 s7, s5;
	s30 =	sadd.s32 s8, s6;
	s6 =	smax.u32 s9, $0x1  }
0xa: {  	s8 =	simm.s32 $0x3;
	s9 =	simm.s32 $0x2710;
	s4 =	sadd.s32 $0x3F200, s7  }
0xb: {  	s5 =	sadd.s32 $0x13600, s30;
	s7 =	sadd.s32 s11, s31;
	s11 =	simm.s32 $0x0  }
.LBB2_1:
0xc: {  	[tilespmem:s2], [sflag:$0x3] =	stream.linear.gather [hbm4b:s4+s2], $0x2710, $0x38;
	[tilespmem:$0x4F10] =	vst v63  }
0xd: {  	_ =	swait.ge [sflag:s8], $0x2710  }
0xe: {  	s13 =	sand.u32 $0x1, s2;
	[sflag:s8] =	ssyncset.done $0x0  }
0xf: {  	s12 =	simm.s32 $0x50;
	p0 =	seq.s32 s13, $0x1;
	[sflag:s8] =	ssyncadd.s32 $0xFFFFD8F0  }
0x10: {  	[tilespmem:s9], [sflag:$0x1] =	stream.indirect.gather [hbm4b:s3+s12], $0x40, s2, s12, $0xb8;
	[tilespmem:$0x4F10] =	vst v63  }
0x11: {  	s13 =	simm.s32 @p0 $0x50;
	s14 =	simm.s32 @p0 $0x2710;
	s15 =	simm.s32 @p0 $0x2  }
0x12: {  	[tilespmem:s14], [sflag:$0x1] =	stream.indirect.gather @p0 [hbm4b:s3+s13], $0x40, s12, s13, $0xb8;
	[tilespmem:$0x4F10] =	vst v63  }
0x13: {  	_ =	swait.ge @p0 [sflag:s15], $0x1400  }
0x14: {  	[sflag:s15] =	ssyncset.done @p0 $0x0  }
0x15: {  	s13 =	simm.s32 @p0 $0x0;
	s14 =	simm.s32 @p0 $0x3B10;
	[sflag:s15] =	ssyncadd.s32 @p0 $0xFFFFEC00  }
0x16: {  	[hbm4b:s7+s13] =	stream.linear.scatter @p0 [tilespmem:s14], [sflag:$0x3], $0x1400, $0x38;
	[tilespmem:$0x4F10] =	vst v63  }
0x17: {  	s16 =	simm.s32 @!p0 $0x1;
	s13 =	simm.s32 @!p0 $0x50;
	s14 =	simm.s32 @!p0 $0x3B10  }
0x18: {  	[tilespmem:s14], [sflag:$0x2] =	stream.indirect.gather @!p0 [hbm4b:s3+s13], $0x40, s12, s13, $0xb8;
	[tilespmem:$0x4F10] =	vst v63  }
0x19: {  	s15 =	simm.s32 @!p0 $0x4;
	_ =	swait.ge @!p0 [sflag:s16], $0x1400  }
0x1a: {  	s31 =	simm.s32 $0x1;
	s15 =	simm.s32 @p0 $0x3;
	[sflag:s16] =	ssyncset.done @!p0 $0x0  }
0x1b: {  	s13 =	simm.s32 @!p0 $0x2710;
	[sflag:s16] =	ssyncadd.s32 @!p0 $0xFFFFEC00;
	s16 =	simm.s32 @!p0 $0x0  }
0x1c: {  	[hbm4b:s7+s16] =	stream.linear.scatter @!p0 [tilespmem:s13], [sflag:$0x4], $0x1400, $0x38;
	[tilespmem:$0x4F10] =	vst v63  }
0x1d: {  	s14 =	simm.s32 $0x2;
	s12 =	sand.u32 $0x1, s31;
	s13 =	simm.s32 $0xA0  }
0x1e: {  	p0 =	seq.s32 s12, $0x1;
	s12 =	sadd.s32 $0x280, s7;
	_ =	swait.ge [sflag:s15], $0x1400  }
.LBB2_2:
0x1f: {  	s16 =	simm.s32 @p0 $0x50;
	s17 =	simm.s32 @p0 $0x2710  }
0x20: {  	[sflag:s15] =	ssyncset.done $0x0;
	s18 =	smov.u32 s14;
	s19 =	smov.u32 s13  }
0x21: {  	s14 =	sadd.s32 $0x1, s14;
	s20 =	simm.s32 @p0 $0x2;
	[sflag:s15] =	ssyncadd.s32 $0xFFFFEC00  }
0x22: {  	[tilespmem:s17], [sflag:$0x1] =	stream.indirect.gather @p0 [hbm4b:s3+s16], $0x40, s13, s16, $0xb8;
	[tilespmem:$0x4F10] =	vst v63  }
0x23: {  	p1 =	sne.s32 s14, $0x7C;
	_ =	swait.ge @p0 [sflag:s20], $0x1400  }
0x24: {  	s13 =	sadd.s32 $0x50, s13;
	[sflag:s20] =	ssyncset.done @p0 $0x0  }
0x25: {  	s15 =	simm.s32 @p0 $0x0;
	s16 =	simm.s32 @p0 $0x3B10;
	[sflag:s20] =	ssyncadd.s32 @p0 $0xFFFFEC00  }
0x26: {  	[hbm4b:s12+s15] =	stream.linear.scatter @p0 [tilespmem:s16], [sflag:$0x3], $0x1400, $0x38;
	[tilespmem:$0x4F10] =	vst v63  }
0x27: {  	s17 =	simm.s32 @!p0 $0x1;
	s15 =	simm.s32 @!p0 $0x50;
	s16 =	simm.s32 @!p0 $0x3B10  }
0x28: {  	[tilespmem:s16], [sflag:$0x2] =	stream.indirect.gather @!p0 [hbm4b:s3+s15], $0x40, s19, s15, $0xb8;
	[tilespmem:$0x4F10] =	vst v63  }
.Ltmp0:
0x29: {  	s16 =	sand.u32 $0x1, s18;
	_ =	swait.ge @!p0 [sflag:s17], $0x1400;
	(pc) =	sbr.rel @p1 .LBB2_2-.Ltmp0, $4  }
0x2a: {  	s18 =	simm.s32 @!p0 $0x2710;
	s15 =	simm.s32 @!p0 $0x4;
	[sflag:s17] =	ssyncset.done @!p0 $0x0  }
0x2b: {  	s15 =	simm.s32 @p0 $0x3;
	[sflag:s17] =	ssyncadd.s32 @!p0 $0xFFFFEC00;
	s17 =	simm.s32 @!p0 $0x0  }
0x2c: {  	[hbm4b:s12+s17] =	stream.linear.scatter @!p0 [tilespmem:s18], [sflag:$0x4], $0x1400, $0x38;
	[tilespmem:$0x4F10] =	vst v63  }
0x2d: {  	p0 =	seq.s32 s16, $0x1;
	s12 =	sadd.s32 $0x280, s12;
	_ =	swait.ge [sflag:s15], $0x1400  }
0x2e: {  	s14 =	simm.s32 @p0 $0x50;
	[sflag:s15] =	ssyncset.done $0x0  }
0x2f: {  	s16 =	simm.s32 @p0 $0x2710;
	s17 =	simm.s32 @p0 $0x2;
	[sflag:s15] =	ssyncadd.s32 $0xFFFFEC00  }
0x30: {  	[tilespmem:s16], [sflag:$0x1] =	stream.indirect.gather @p0 [hbm4b:s3+s14], $0x40, s13, s14, $0xb8;
	[tilespmem:$0x4F10] =	vst v63  }
0x31: {  	_ =	swait.ge @p0 [sflag:s17], $0x1400  }
0x32: {  	[sflag:s17] =	ssyncset.done @p0 $0x0  }
0x33: {  	s15 =	simm.s32 @p0 $0x3B10;
	s14 =	simm.s32 @p0 $0x0;
	[sflag:s17] =	ssyncadd.s32 @p0 $0xFFFFEC00  }
0x34: {  	[hbm4b:s12+s14] =	stream.linear.scatter @p0 [tilespmem:s15], [sflag:$0x3], $0x1400, $0x38;
	[tilespmem:$0x4F10] =	vst v63  }
0x35: {  	s16 =	simm.s32 @!p0 $0x1;
	s14 =	simm.s32 @!p0 $0x50;
	s15 =	simm.s32 @!p0 $0x3B10  }
0x36: {  	[tilespmem:s15], [sflag:$0x2] =	stream.indirect.gather @!p0 [hbm4b:s3+s14], $0x40, s13, s14, $0xb8;
	[tilespmem:$0x4F10] =	vst v63  }
0x37: {  	_ =	swait.ge @!p0 [sflag:s16], $0x1400  }
0x38: {  	s13 =	simm.s32 @!p0 $0x2710;
	s14 =	simm.s32 @!p0 $0x4;
	[sflag:s16] =	ssyncset.done @!p0 $0x0  }
0x39: {  	s15 =	simm.s32 @!p0 $0x0;
	s14 =	simm.s32 @p0 $0x3;
	[sflag:s16] =	ssyncadd.s32 @!p0 $0xFFFFEC00  }
0x3a: {  	[hbm4b:s12+s15] =	stream.linear.scatter @!p0 [tilespmem:s13], [sflag:$0x4], $0x1400, $0x38;
	[tilespmem:$0x4F10] =	vst v63  }
0x3b: {  	_ =	swait.ge [sflag:s14], $0x1400  }
0x3c: {  	[sflag:s14] =	ssyncset.done $0x0  }
0x3d: {  	[sflag:s14] =	ssyncadd.s32 $0xFFFFEC00  }
0x3e: {  	s11 =	sadd.s32 $0x1, s11;
	_ =	swait.ge [sflag:s10], $0x1400  }
0x3f: {  	p0 =	sne.s32 s11, s6;
	[sflag:s10] =	ssyncset.done $0x0  }
.Ltmp1:
0x40: {  	[sflag:s10] =	ssyncadd.s32 $0xFFFFEC00;
	(pc) =	sbr.rel @p0 .LBB2_1-.Ltmp1, $4  }
0x41: {  	[hbm4b:s5+s2] =	stream.linear.scatter [tilespmem:s9], [sflag:$0x3], $0x1400, $0x38;
	[tilespmem:$0x4F10] =	vst v63  }
0x42: {  	_ =	swait.ge [sflag:s8], $0x1400  }
0x43: {  	[sflag:s8] =	ssyncset.done $0x0  }
0x44: {  	[sflag:s8] =	ssyncadd.s32 $0xFFFFEC00  }
0x45: {  	_ =	sfence.sel $0x180000  }
0x46: {  	[bflag:$0x0] =	sbarrier.arrive $0xFFFF  }
0x47: {  	p0 =	sne.s32 s1, $0x0;
	_ =	strace $0x90000047  }
0x48: {  	s0 =	sadd.s32 @!p0 $0x100000, s0;
	[bflag:$0x2] =	sbarrier.arrive $0xFFFF  }
0x49: {  	[sflag:s0] =	ssyncadd.tile.s32 @!p0 $0x1;
	_ =	shalt  }
.Lfunc_end2:
_tile_overlayer_lowered:
.L_overlay_start_2:
0x4a: {  	(tag) =	ssettag $0x2  }
0x4b: {  	s0 =	rddreg [dreg:$0x0];
	s2 =	stileid.u32  }
0x4c: {  	s1 =	rddreg [dreg:$0x1];
	p0 =	sne.s32 s2, $0x0  }
0x4d: {  	s3 =	rddreg [dreg:$0x2];
	[bflag:$0x3] =	sbarrier.arrive $0xFFFF;
	s2 =	simm.s32 @!p0 $0x1C03  }
0x4e: {  	[timem:s3], [sflag:s2] =	dma.local @!p0 [hbm:s0], s1  }
0x4f: {  	s0 =	simm.s32 @!p0 $0x3  }
0x50: {  	_ =	swait.ge @!p0 [sflag:s0], s1  }
0x51: {  	s1 =	ssub.s32 @!p0 $0x0, s1;
	[sflag:s0] =	ssyncset.done @!p0 $0x0  }
0x52: {  	[sflag:s0] =	ssyncadd.s32 @!p0 s1  }
0x53: {  	[bflag:$0x3] =	sbarrier.arrive $0xFFFF  }
0x54: {  	_ =	shalt  }

// kernel: kernel.14.cloned.1.call-start
scs
__scs_entry_jumppad:
0x0: {  	(pc) =	sbr.rel $0x88, $3  }
0x1: {  	(tag) =	ssettag $0x0;
	lr =	simm.s32 $0x1  }
0x2: {  	[smem:$0x3F96] =	sst lr;
	_ =	strace $0xD0000000  }
0x3: {  	_ = 	snop  }
0x4: {  	_ = 	snop  }
0x5: {  	_ = 	snop  }
0x6: {  	_ = 	snop  }
0x7: {  	_ = 	snop  }
__scs_overlays_trampoline_lowered:
0x8: {  	[smem:$0x3FA5] =	sst s0  }
0x9: {  	[smem:$0x3FA6] =	sst s1  }
0xa: {  	[smem:$0x3FA7] =	sst s2  }
0xb: {  	[smem:$0x3FA8] =	sst s3  }
0xc: {  	[smem:$0x3FA9] =	sst s4  }
0xd: {  	[smem:$0x3FAA] =	sst s5  }
0xe: {  	[smem:$0x3FAB] =	sst s6  }
0xf: {  	[smem:$0x3FAC] =	sst s7  }
0x10: {  	[smem:$0x3FAD] =	sst s8  }
0x11: {  	[smem:$0x3FAE] =	sst s9;
	s0 =	simm.s32 @!p0 $0x0  }
0x12: {  	s1 =	sld [smem:$0x3F94];
	s0 =	simm.s32 @p0 $0x1  }
0x13: {  	[smem:$0x3FAF] =	sst s0;
	s0 =	simm.s32 @!p1 $0x0  }
0x14: {  	s2 =	sld [smem:$0x3F93];
	s0 =	simm.s32 @p1 $0x1  }
0x15: {  	[smem:$0x3FB0] =	sst s0;
	s0 =	simm.s32 @!p2 $0x0  }
0x16: {  	s3 =	sld [smem:$0x3FDB];
	s0 =	simm.s32 @p2 $0x1  }
0x17: {  	s4 =	simm.s32 $0x1BF5;
	[smem:$0x3FB2] =	sst s0  }
0x18: {  	s0 =	sld [smem:$0x3F95];
	_ =	swait.ge [sflag:s4], $0x0  }
0x19: {  	s7 =	sld [smem:$0x3F96]  }
0x1a: {  	s8 =	sadd.s32 $0xFFFFE003, lr  }
0x1b: {  	s9 =	sadd.s32 $0xFFFFFEF7, lr;
	s5 =	simm.s32 $0xFFFFFFFF;
	p2 =	slt.u32 s8, $0xFFFFF086  }
0x1c: {  	p1 =	slt.u32 s9, $0xF7A;
	s5 =	simm.s32 @!p2 $0x0  }
0x1d: {  	s5 =	simm.s32 @p1 $0x1;
	p0 =	seq.s32 s7, s2  }
0x1e: {  	s7 =	smul.u32 @!p0 $0xF7A, s2;
	p2 =	seq.s32 @!p0 s5, $0x0  }
0x1f: {  	s9 =	smul.u32 $0xF7A, s1;
	s8 =	simm.s32 @!p0 $0x1BF5;
	p2 =	por !p2, p0  }
0x20: {  	[sflag:s8] =	ssyncset.s32 @!p0 $0xFFFFF086;
	s6 =	sadd.s32 @!p0 s3, s7;
	s7 =	simm.s32 @!p0 $0x108  }
0x21: {  	s3 =	sadd.s32 s3, s9;
	s6 =	sadd.s32 @!p0 $0x88, s6;
	s7 =	simm.s32 @p2 $0x1082  }
0x22: {  	[simem:s7], [sflag:s8] =	dma.local @!p0 [hbm:s6], $0xF7A  }
0x23: {  	s9 =	sor.u32 $0xD0000000, s2;
	s6 =	simm.s32 $0x108;
	_ =	swait.ge @!p0 [sflag:s8], $0x0  }
0x24: {  	s3 =	sadd.s32 $0x88, s3;
	s6 =	simm.s32 @!p1 $0x1082;
	[sflag:s4] =	ssyncset.s32 $0xFFFFF086  }
0x25: {  	[simem:s6], [sflag:s4] =	dma.local [hbm:s3], $0xF7A  }
0x26: {  	[smem:$0x3F96] =	sst s1;
	(tag) =	ssettag s2;
	_ =	strace s9  }
0x27: {  	s1 =	sld [smem:$0x3FA6]  }
0x28: {  	s2 =	sld [smem:$0x3FA7]  }
0x29: {  	s4 =	sld [smem:$0x3FA9]  }
0x2a: {  	p0 =	seq.s32 s5, $0x0;
	s5 =	sld [smem:$0x3FAA]  }
0x2b: {  	s6 =	sld [smem:$0x3FAB]  }
0x2c: {  	s7 =	sld [smem:$0x3FAC]  }
0x2d: {  	s3 =	simm.s32 $0x108;
	s8 =	sld [smem:$0x3FAD]  }
0x2e: {  	s3 =	simm.s32 @!p0 $0x1082;
	s9 =	sld [smem:$0x3FAE]  }
0x2f: {  	lr =	sadd.s32 s0, s3;
	s0 =	sld [smem:$0x3FA5]  }
0x30: {  	s3 =	sld [smem:$0x3FA8]  }
0x31: {  	[smem:$0x3FB1] =	sst s10  }
0x32: {  	s10 =	sld [smem:$0x3FAF];
	_ =	sdelay $0x3  }
0x33: {  	p0 =	seq.s32 s10, $0x1;
	s10 =	sld [smem:$0x3FB1];
	_ =	sdelay $0x3  }
0x34: {  	[smem:$0x3FB1] =	sst s10  }
0x35: {  	s10 =	sld [smem:$0x3FB0];
	_ =	sdelay $0x3  }
0x36: {  	p1 =	seq.s32 s10, $0x1;
	s10 =	sld [smem:$0x3FB1];
	_ =	sdelay $0x3  }
0x37: {  	[smem:$0x3FB1] =	sst s10  }
0x38: {  	s10 =	sld [smem:$0x3FB2]  }
0x39: {  	_ = 	snop;
	(pc) =	sbr.ind lr, $3  }
0x3a: {  	_ = 	snop  }
0x3b: {  	_ = 	snop  }
0x3c: {  	p2 =	seq.s32 s10, $0x1;
	s10 =	sld [smem:$0x3FB1]  }
0x3d: {  	_ =	shalt  }
0x3e: {  	_ =	shalt  }
0x3f: {  	_ =	shalt  }
0x40: {  	_ =	shalt  }
0x41: {  	_ =	shalt  }
0x42: {  	_ =	shalt  }
0x43: {  	_ =	shalt  }
0x44: {  	_ =	shalt  }
0x45: {  	_ =	shalt  }
0x46: {  	_ =	shalt  }
0x47: {  	_ =	shalt  }
0x48: {  	_ =	shalt  }
0x49: {  	_ =	shalt  }
0x4a: {  	_ =	shalt  }
0x4b: {  	_ =	shalt  }
0x4c: {  	_ =	shalt  }
0x4d: {  	_ =	shalt  }
0x4e: {  	_ =	shalt  }
0x4f: {  	_ =	shalt  }
0x50: {  	_ =	shalt  }
0x51: {  	_ =	shalt  }
0x52: {  	_ =	shalt  }
0x53: {  	_ =	shalt  }
0x54: {  	_ =	shalt  }
0x55: {  	_ =	shalt  }
0x56: {  	_ =	shalt  }
0x57: {  	_ =	shalt  }
0x58: {  	_ =	shalt  }
0x59: {  	_ =	shalt  }
0x5a: {  	_ =	shalt  }
0x5b: {  	_ =	shalt  }
0x5c: {  	_ =	shalt  }
0x5d: {  	_ =	shalt  }
0x5e: {  	_ =	shalt  }
0x5f: {  	_ =	shalt  }
0x60: {  	_ =	shalt  }
0x61: {  	_ =	shalt  }
0x62: {  	_ =	shalt  }
0x63: {  	_ =	shalt  }
0x64: {  	_ =	shalt  }
0x65: {  	_ =	shalt  }
0x66: {  	_ =	shalt  }
0x67: {  	_ =	shalt  }
0x68: {  	_ =	shalt  }
0x69: {  	_ =	shalt  }
0x6a: {  	_ =	shalt  }
0x6b: {  	_ =	shalt  }
0x6c: {  	_ =	shalt  }
0x6d: {  	_ =	shalt  }
0x6e: {  	_ =	shalt  }
0x6f: {  	_ =	shalt  }
0x70: {  	_ =	shalt  }
0x71: {  	_ =	shalt  }
0x72: {  	_ =	shalt  }
0x73: {  	_ =	shalt  }
0x74: {  	_ =	shalt  }
0x75: {  	_ =	shalt  }
0x76: {  	_ =	shalt  }
0x77: {  	_ =	shalt  }
0x78: {  	_ =	shalt  }
0x79: {  	_ =	shalt  }
0x7a: {  	_ =	shalt  }
0x7b: {  	_ =	shalt  }
0x7c: {  	_ =	shalt  }
0x7d: {  	_ =	shalt  }
0x7e: {  	_ =	shalt  }
0x7f: {  	_ =	shalt  }
0x80: {  	_ =	shalt  }
0x81: {  	_ =	shalt  }
0x82: {  	_ =	shalt  }
0x83: {  	_ =	shalt  }
0x84: {  	_ =	shalt  }
0x85: {  	_ =	shalt  }
0x86: {  	_ =	shalt  }
0x87: {  	_ =	shalt  }
.Lfunc_end0:
.L_simem_size_0:
called_computation.1_lowered:
.L_overlay_start_0:
0x88: {  	s2 =	sld [smem:$0x3FD9]  }
0x89: {  	s3 =	sld [smem:$0x3FFE];
	_ =	sdelay $0x1  }
0x8a: {  	s1 =	srdreg.scid  }
0x8b: {  	s0 =	sand.u32 $0x1, s1  }
0x8c: {  	s16 =	sshll.u32 s0, $0xA;
	s2 =	sadd.s32 s3, s2  }
0x8d: {  	s2 =	sadd.s32 s2, s16  }
0x8e: {  	[smem:$0x3FBD] =	sst s2  }
0x8f: {  	_ = 	snop  }
0x90: {  	(tm) =	ssettm $0x1  }
0x91: {  	s17 =	sld [smem:$0x3FFB];
	_ =	sdelay $0x3  }
0x92: {  	_ =	strace s17  }
0x93: {  	s2 =	sld [smem:$0x3FFC];
	_ =	sdelay $0x3  }
0x94: {  	_ =	strace s2  }
0x95: {  	s2 =	sld [smem:$0x3FFD];
	_ =	sdelay $0x3  }
0x96: {  	_ =	strace s2  }
0x97: {  	_ =	strace $0x8FFFFFFF  }
0x98: {  	s18 =	sld [smem:$0x3FDB];
	_ =	sdelay $0x1  }
0x99: {  	s19 =	simm.s32 $_scs_section_size  }
0x9a: {  	s4 =	simm.s32 $_size__tile_overlayer_lowered;
	s5 =	simm.s32 $_tile_overlayer_lowered  }
0x9b: {  	s22 =	simm.s32 $0x1BFF;
	s21 =	sshll.u32 s5, $0x1;
	s2 =	sadd.s32 s19, s18  }
0x9c: {  	s6 =	simm.s32 $0x0;
	s20 =	sshll.u32 s4, $0x1;
	s4 =	sadd.s32 s21, s2  }
0x9d: {  	[timem:s6], [sflag:s22] =	dma.local [hbm:s4], s20  }
0x9e: {  	_ =	swait.ge [sflag:s22], s20  }
0x9f: {  	s3 =	ssub.s32 $0x0, s20;
	[sflag:s22] =	ssyncset.done $0x0  }
0xa0: {  	[sflag:s22] =	ssyncadd.s32 s3;
	_ =	sdelay $0x1  }
0xa1: {  	s23 =	simm.s32 $0x1B8B  }
0xa2: {  	_ =	swait.ge [sflag:s23], $0x1  }
0xa3: {  	[sflag:s23] =	ssyncset.done $0x0  }
0xa4: {  	s25 =	simm.s32 $0x1B8E;
	s24 =	sld [smem:$0x3FFE];
	[sflag:s23] =	ssyncadd.s32 $0xFFFFFFFF  }
0xa5: {  	s26 =	simm.s32 $execute0_lowered;
	[smem:$0x3FD2] =	sst s25  }
0xa6: {  	s4 =	sshll.u32 s26, $0x1;
	_ =	strace $0x80000049;
	[dreg:$0x1] =	wrdreg $0xFFFFFFFF  }
0xa7: {  	s28 =	simm.s32 $_size_execute0_lowered;
	s2 =	sadd.s32 s2, s4;
	[dreg:$0x0] =	wrdreg $0x0  }
0xa8: {  	s4 =	sshll.u32 s28, $0x1;
	[dreg:$0x2] =	wrdreg s2  }
0xa9: {  	[dreg:$0x3] =	wrdreg s4  }
0xaa: {  	[dreg:$0x4] =	wrdreg $0xC0  }
0xab: {  	_ =	task [dreg:s6], $0x5FFFF  }
0xac: {  	[dreg:$0x1] =	wrdreg $0xFFFFFFFF  }
0xad: {  	[dreg:$0x0] =	wrdreg $0x60  }
0xae: {  	[dreg:$0x2] =	wrdreg s24  }
0xaf: {  	[dreg:$0x3] =	wrdreg $0x4F100  }
0xb0: {  	[dreg:$0x4] =	wrdreg $0x9  }
0xb1: {  	_ =	task.clear_ibuf [dreg:s6], $0x5FFFF;
	_ =	strace $0x90000049  }
0xb2: {  	s29 =	simm.s32 $0x9;
	_ =	strace $0x8000004B  }
0xb3: {  	_ =	swait.ge [sflag:s29], $0x1  }
0xb4: {  	[sflag:s29] =	ssyncadd.s32 $0xFFFFFFFF  }
0xb5: {  	_ =	strace $0x9000004B  }
0xb6: {  	_ =	sfence  }
0xb7: {  	s30 =	sld [smem:$0x0];
	_ =	sdelay $0x2  }
0xb8: {  	s31 =	sshll.u32 s1, $0xD;
	s1 =	sshrl.u32 s1, $0x2  }
0xb9: {  	s3 =	sand.u32 $0x4000, s31;
	s1 =	sadd.s32 s1, s30  }
0xba: {  	s0 =	sor.u32 s3, s0;
	s1 =	sshll.u32 s1, $0x11  }
0xbb: {  	s0 =	sor.u32 s1, s0  }
0xbc: {  	s0 =	sadd.s32 $0x8F2B, s0  }
0xbd: {  	[sflag:s0] =	ssyncadd.remote.s32 $0x1  }
0xbe: {  	_ =	sfence.sel $0xFFFF  }
0xbf: {  	[dreg:$0x0] =	wrdreg $0xFFFFFFFF;
	(pc) =	sbr.abs _section_cstart, $3  }
0xc0: {  	[dreg:$0x1] =	wrdreg $0xFFFFFFFF  }
0xc1: {  	_ =	task.clear_ibuf [dreg:s6], $0x2FFFF;
	_ =	strace $0x9FFFFFFF  }
0xc2: {  	(tm) =	ssettm $0x7FFFFFFF  }
0xc3: {  	_ =	shalt  }
tec
execute0_lowered:
.L_overlay_start_1:
0x0: {  	(tag) =	ssettag $0x1  }
0x1: {  	s0 =	srdreg.scid;
	s5 =	rddreg [dreg:$0x0]  }
0x2: {  	s2 =	rddreg [dreg:$0x1];
	s4 =	sand.u32 $0x1, s0;
	s0 =	stileid.u32  }
0x3: {  	s3 =	simm.s32 $0x0;
	s15 =	simm.s32 $0x50;
	s8 =	smul.u32 $0xA000, s0  }
0x4: {  	s16 =	simm.s32 $0x26C0;
	s17 =	simm.s32 $0x0;
	s9 =	smul.u32 $0xA0000, s4  }
0x5: {  	[smem:$0x7FF] =	sst s3;
	s10 =	sadd.s32 $0x52E00, s5;
	s13 =	smul.u32 $0x27100, s4  }
0x6: {  	s1 =	sshll.u32 s4, $0x4;
	s12 =	ssub.s32 $0x2, s4;
	s29 =	smul.u32 $0x2710, s0  }
0x7: {  	s30 =	sshll.u32 s0, $0x6;
	s6 =	sor.u32 s0, s1;
	s1 =	rddreg [dreg:$0x2]  }
0x8: {  	_ =	strace $0x8000004A;
	s28 =	sshrl.u32 s12, $0x1;
	s7 =	smul.u32 $0x2710, s6  }
0x9: {  	s11 =	sshrl.u32 s8, $0x3;
	s9 =	sadd.s32 s8, s9;
	s12 =	ssub.s32 s12, s28  }
0xa: {  	s14 =	sadd.s32 s8, s2;
	s31 =	smul.u32 $0x13880, s6;
	s13 =	sadd.s32 s29, s13  }
0xb: {  	s11 =	sadd.s32 s11, s5;
	s9 =	sshrl.u32 s9, $0x3;
	s13 =	sshll.u32 s13, $0x3  }
0xc: {  	s7 =	sshrl.u32 s7, $0x3;
	s9 =	sadd.s32 s9, s5;
	s4 =	sadd.s32 $0xC89800, s11  }
0xd: {  	s11 =	sshrl.u32 s14, $0x3;
	s14 =	simm.s32 $0x1;
	s7 =	sadd.s32 s7, s5  }
0xe: {  	s5 =	sor.u32 $0x1C03, s30;
	s8 =	sadd.s32 $0xC9D800, s9;
	s9 =	smax.u32 s12, $0x1  }
0xf: {  	s6 =	sadd.s32 $0x49000, s7;
	s7 =	sadd.s32 s10, s31;
	s10 =	sadd.s32 s10, s13  }
0x10: {  	s12 =	simm.s32 $0x3;
	s13 =	simm.s32 $0x2710;
	s10 =	sadd.s32 $0x280, s10  }
.LBB2_1:
0x11: {  	[spmem:s11], [sflag:s5] =	dma.local [hbm:s4], $0x1400  }
0x12: {  	_ =	swait.ge [sflag:s12], $0x1400  }
0x13: {  	[sflag:s12] =	ssyncset.done $0x0  }
0x14: {  	[sflag:s12] =	ssyncadd.s32 $0xFFFFEC00  }
0x15: {  	[tilespmem:s3], [sflag:$0x3] =	stream.linear.gather [hbm4b:s6+s3], $0x2710, $0x38;
	[tilespmem:$0xEF10] =	vst v63  }
0x16: {  	_ =	swait.ge [sflag:s12], $0x2710  }
0x17: {  	[sflag:s12] =	ssyncset.done $0x0  }
0x18: {  	s18 =	sand.u32 $0x1, s3;
	[sflag:s12] =	ssyncadd.s32 $0xFFFFD8F0  }
0x19: {  	p0 =	seq.s32 s18, $0x1;
	[bflag:$0x0] =	sbarrier.arrive $0xFFFF  }
0x1a: {  	[tilespmem:s13], [sflag:$0x1] =	stream.linear.gather [hbm4b:s7+s3], $0x1400, $0x38;
	[tilespmem:$0xEF10] =	vst v63  }
0x1b: {  	s18 =	simm.s32 @p0 $0x0;
	s19 =	simm.s32 @p0 $0x2710;
	s20 =	simm.s32 @p0 $0x2  }
0x1c: {  	[tilespmem:s19], [sflag:$0x1] =	stream.linear.gather @p0 [hbm4b:s10+s18], $0x1400, $0x38;
	[tilespmem:$0xEF10] =	vst v63  }
0x1d: {  	_ =	swait.ge @p0 [sflag:s20], $0x1400  }
0x1e: {  	[sflag:s20] =	ssyncset.done @p0 $0x0  }
0x1f: {  	s18 =	simm.s32 @p0 $0x50;
	s19 =	simm.s32 @p0 $0x3B10;
	[sflag:s20] =	ssyncadd.s32 @p0 $0xFFFFEC00  }
0x20: {  	[spmem:s2] =	stream.indirect.scatter.add.f32 @p0 [tilespmem:s19], [sflag:$0x3], $0x40, s3, s18, $0xb8;
	[tilespmem:$0xEF10] =	vst v63  }
0x21: {  	s22 =	simm.s32 @!p0 $0x1;
	s18 =	simm.s32 @!p0 $0x0;
	s19 =	simm.s32 @!p0 $0x3B10  }
0x22: {  	[tilespmem:s19], [sflag:$0x2] =	stream.linear.gather @!p0 [hbm4b:s10+s18], $0x1400, $0x38;
	[tilespmem:$0xEF10] =	vst v63  }
0x23: {  	s21 =	simm.s32 @!p0 $0x4;
	_ =	swait.ge @!p0 [sflag:s22], $0x1400  }
0x24: {  	s31 =	simm.s32 $0x1;
	s21 =	simm.s32 @p0 $0x3;
	[sflag:s22] =	ssyncset.done @!p0 $0x0  }
0x25: {  	s19 =	simm.s32 @!p0 $0x2710;
	[sflag:s22] =	ssyncadd.s32 @!p0 $0xFFFFEC00;
	s22 =	simm.s32 @!p0 $0x50  }
0x26: {  	[spmem:s2] =	stream.indirect.scatter.add.f32 @!p0 [tilespmem:s19], [sflag:$0x4], $0x40, s3, s22, $0xb8;
	[tilespmem:$0xEF10] =	vst v63  }
0x27: {  	s20 =	simm.s32 $0x2;
	s18 =	sand.u32 $0x1, s31;
	s19 =	sadd.s32 $0x280, s10  }
0x28: {  	p0 =	seq.s32 s18, $0x1;
	s18 =	simm.s32 $0x50;
	_ =	swait.ge [sflag:s21], $0x1400  }
.LBB2_2:
0x29: {  	s22 =	simm.s32 @p0 $0x0;
	s23 =	simm.s32 @p0 $0x2710  }
0x2a: {  	[sflag:s21] =	ssyncset.done $0x0;
	s24 =	smov.u32 s20;
	s25 =	smov.u32 s19  }
0x2b: {  	s20 =	sadd.s32 $0x1, s20;
	s26 =	simm.s32 @p0 $0x2;
	[sflag:s21] =	ssyncadd.s32 $0xFFFFEC00  }
0x2c: {  	[tilespmem:s23], [sflag:$0x1] =	stream.linear.gather @p0 [hbm4b:s19+s22], $0x1400, $0x38;
	[tilespmem:$0xEF10] =	vst v63  }
0x2d: {  	p1 =	sne.s32 s20, $0x7C;
	_ =	swait.ge @p0 [sflag:s26], $0x1400  }
0x2e: {  	s19 =	sadd.s32 $0x280, s19;
	[sflag:s26] =	ssyncset.done @p0 $0x0  }
0x2f: {  	s21 =	simm.s32 @p0 $0x50;
	s22 =	simm.s32 @p0 $0x3B10;
	[sflag:s26] =	ssyncadd.s32 @p0 $0xFFFFEC00  }
0x30: {  	[spmem:s2] =	stream.indirect.scatter.add.f32 @p0 [tilespmem:s22], [sflag:$0x3], $0x40, s18, s21, $0xb8;
	[tilespmem:$0xEF10] =	vst v63  }
0x31: {  	s23 =	simm.s32 @!p0 $0x1;
	s21 =	simm.s32 @!p0 $0x0;
	s22 =	simm.s32 @!p0 $0x3B10  }
0x32: {  	[tilespmem:s22], [sflag:$0x2] =	stream.linear.gather @!p0 [hbm4b:s25+s21], $0x1400, $0x38;
	[tilespmem:$0xEF10] =	vst v63  }
.Ltmp0:
0x33: {  	s22 =	sand.u32 $0x1, s24;
	_ =	swait.ge @!p0 [sflag:s23], $0x1400;
	(pc) =	sbr.rel @p1 .LBB2_2-.Ltmp0, $4  }
0x34: {  	s24 =	simm.s32 @!p0 $0x2710;
	s21 =	simm.s32 @!p0 $0x4;
	[sflag:s23] =	ssyncset.done @!p0 $0x0  }
0x35: {  	s21 =	simm.s32 @p0 $0x3;
	[sflag:s23] =	ssyncadd.s32 @!p0 $0xFFFFEC00;
	s23 =	simm.s32 @!p0 $0x50  }
0x36: {  	[spmem:s2] =	stream.indirect.scatter.add.f32 @!p0 [tilespmem:s24], [sflag:$0x4], $0x40, s18, s23, $0xb8;
	[tilespmem:$0xEF10] =	vst v63  }
0x37: {  	p0 =	seq.s32 s22, $0x1;
	s18 =	sadd.s32 $0x50, s18;
	_ =	swait.ge [sflag:s21], $0x1400  }
0x38: {  	s20 =	simm.s32 @p0 $0x0;
	[sflag:s21] =	ssyncset.done $0x0  }
0x39: {  	s22 =	simm.s32 @p0 $0x2710;
	s23 =	simm.s32 @p0 $0x2;
	[sflag:s21] =	ssyncadd.s32 $0xFFFFEC00  }
0x3a: {  	[tilespmem:s22], [sflag:$0x1] =	stream.linear.gather @p0 [hbm4b:s19+s20], $0x1400, $0x38;
	[tilespmem:$0xEF10] =	vst v63  }
0x3b: {  	_ =	swait.ge @p0 [sflag:s23], $0x1400  }
0x3c: {  	[sflag:s23] =	ssyncset.done @p0 $0x0  }
0x3d: {  	s21 =	simm.s32 @p0 $0x3B10;
	s20 =	simm.s32 @p0 $0x50;
	[sflag:s23] =	ssyncadd.s32 @p0 $0xFFFFEC00  }
0x3e: {  	[spmem:s2] =	stream.indirect.scatter.add.f32 @p0 [tilespmem:s21], [sflag:$0x3], $0x40, s18, s20, $0xb8;
	[tilespmem:$0xEF10] =	vst v63  }
0x3f: {  	s22 =	simm.s32 @!p0 $0x1;
	s20 =	simm.s32 @!p0 $0x0;
	s21 =	simm.s32 @!p0 $0x3B10  }
0x40: {  	[tilespmem:s21], [sflag:$0x2] =	stream.linear.gather @!p0 [hbm4b:s19+s20], $0x1400, $0x38;
	[tilespmem:$0xEF10] =	vst v63  }
0x41: {  	_ =	swait.ge @!p0 [sflag:s22], $0x1400  }
0x42: {  	s19 =	simm.s32 @!p0 $0x2710;
	s20 =	simm.s32 @!p0 $0x4;
	[sflag:s22] =	ssyncset.done @!p0 $0x0  }
0x43: {  	s21 =	simm.s32 @!p0 $0x50;
	s20 =	simm.s32 @p0 $0x3;
	[sflag:s22] =	ssyncadd.s32 @!p0 $0xFFFFEC00  }
0x44: {  	[spmem:s2] =	stream.indirect.scatter.add.f32 @!p0 [tilespmem:s19], [sflag:$0x4], $0x40, s18, s21, $0xb8;
	[tilespmem:$0xEF10] =	vst v63  }
0x45: {  	_ =	swait.ge [sflag:s20], $0x1400  }
0x46: {  	[sflag:s20] =	ssyncset.done $0x0  }
0x47: {  	[sflag:s20] =	ssyncadd.s32 $0xFFFFEC00  }
0x48: {  	_ =	swait.ge [sflag:s14], $0x1400  }
0x49: {  	[sflag:s14] =	ssyncset.done $0x0  }
0x4a: {  	[sflag:s14] =	ssyncadd.s32 $0xFFFFEC00  }
0x4b: {  	[spmem:s2] =	stream.indirect.scatter.add.f32 [tilespmem:s13], [sflag:$0x3], $0x40, s16, s15, $0xb8;
	[tilespmem:$0xEF10] =	vst v63  }
0x4c: {  	_ =	swait.ge [sflag:s12], $0x1400  }
0x4d: {  	s17 =	sadd.s32 $0x1, s17;
	[sflag:s12] =	ssyncset.done $0x0  }
0x4e: {  	p0 =	sne.s32 s17, s9;
	[sflag:s12] =	ssyncadd.s32 $0xFFFFEC00  }
.Ltmp1:
0x4f: {  	[bflag:$0x0] =	sbarrier.arrive $0xFFFF;
	(pc) =	sbr.rel @p0 .LBB2_1-.Ltmp1, $4  }
0x50: {  	[hbm:s8], [sflag:s5] =	dma.local [spmem:s11], $0x1400  }
0x51: {  	_ =	swait.ge [sflag:s12], $0x1400  }
0x52: {  	[sflag:s12] =	ssyncset.done $0x0  }
0x53: {  	[sflag:s12] =	ssyncadd.s32 $0xFFFFEC00  }
0x54: {  	_ =	sfence.sel $0x180000  }
0x55: {  	[bflag:$0x0] =	sbarrier.arrive $0xFFFF  }
0x56: {  	p0 =	sne.s32 s0, $0x0;
	_ =	strace $0x9000004A  }
0x57: {  	s0 =	sadd.s32 @!p0 $0x100000, s1;
	[bflag:$0x2] =	sbarrier.arrive $0xFFFF  }
0x58: {  	[sflag:s0] =	ssyncadd.tile.s32 @!p0 $0x1;
	_ =	shalt  }
.Lfunc_end2:
_tile_overlayer_lowered:
.L_overlay_start_2:
0x59: {  	(tag) =	ssettag $0x2  }
0x5a: {  	s0 =	rddreg [dreg:$0x0];
	s2 =	stileid.u32  }
0x5b: {  	s1 =	rddreg [dreg:$0x1];
	p0 =	sne.s32 s2, $0x0  }
0x5c: {  	s3 =	rddreg [dreg:$0x2];
	[bflag:$0x3] =	sbarrier.arrive $0xFFFF;
	s2 =	simm.s32 @!p0 $0x1C03  }
0x5d: {  	[timem:s3], [sflag:s2] =	dma.local @!p0 [hbm:s0], s1  }
0x5e: {  	s0 =	simm.s32 @!p0 $0x3  }
0x5f: {  	_ =	swait.ge @!p0 [sflag:s0], s1  }
0x60: {  	s1 =	ssub.s32 @!p0 $0x0, s1;
	[sflag:s0] =	ssyncset.done @!p0 $0x0  }
0x61: {  	[sflag:s0] =	ssyncadd.s32 @!p0 s1  }
0x62: {  	[bflag:$0x3] =	sbarrier.arrive $0xFFFF  }
0x63: {  	_ =	shalt  }

// kernel: kernel.17.cloned.1.call-start
scs
__scs_entry_jumppad:
0x0: {  	(pc) =	sbr.rel $0x88, $3  }
0x1: {  	(tag) =	ssettag $0x0;
	lr =	simm.s32 $0x1  }
0x2: {  	[smem:$0x3F96] =	sst lr;
	_ =	strace $0xD0000000  }
0x3: {  	_ = 	snop  }
0x4: {  	_ = 	snop  }
0x5: {  	_ = 	snop  }
0x6: {  	_ = 	snop  }
0x7: {  	_ = 	snop  }
__scs_overlays_trampoline_lowered:
0x8: {  	[smem:$0x3FA5] =	sst s0  }
0x9: {  	[smem:$0x3FA6] =	sst s1  }
0xa: {  	[smem:$0x3FA7] =	sst s2  }
0xb: {  	[smem:$0x3FA8] =	sst s3  }
0xc: {  	[smem:$0x3FA9] =	sst s4  }
0xd: {  	[smem:$0x3FAA] =	sst s5  }
0xe: {  	[smem:$0x3FAB] =	sst s6  }
0xf: {  	[smem:$0x3FAC] =	sst s7  }
0x10: {  	[smem:$0x3FAD] =	sst s8  }
0x11: {  	[smem:$0x3FAE] =	sst s9;
	s0 =	simm.s32 @!p0 $0x0  }
0x12: {  	s1 =	sld [smem:$0x3F94];
	s0 =	simm.s32 @p0 $0x1  }
0x13: {  	[smem:$0x3FAF] =	sst s0;
	s0 =	simm.s32 @!p1 $0x0  }
0x14: {  	s2 =	sld [smem:$0x3F93];
	s0 =	simm.s32 @p1 $0x1  }
0x15: {  	[smem:$0x3FB0] =	sst s0;
	s0 =	simm.s32 @!p2 $0x0  }
0x16: {  	s3 =	sld [smem:$0x3FDB];
	s0 =	simm.s32 @p2 $0x1  }
0x17: {  	s4 =	simm.s32 $0x1BF5;
	[smem:$0x3FB2] =	sst s0  }
0x18: {  	s0 =	sld [smem:$0x3F95];
	_ =	swait.ge [sflag:s4], $0x0  }
0x19: {  	s7 =	sld [smem:$0x3F96]  }
0x1a: {  	s8 =	sadd.s32 $0xFFFFE003, lr  }
0x1b: {  	s9 =	sadd.s32 $0xFFFFFEF7, lr;
	s5 =	simm.s32 $0xFFFFFFFF;
	p2 =	slt.u32 s8, $0xFFFFF086  }
0x1c: {  	p1 =	slt.u32 s9, $0xF7A;
	s5 =	simm.s32 @!p2 $0x0  }
0x1d: {  	s5 =	simm.s32 @p1 $0x1;
	p0 =	seq.s32 s7, s2  }
0x1e: {  	s7 =	smul.u32 @!p0 $0xF7A, s2;
	p2 =	seq.s32 @!p0 s5, $0x0  }
0x1f: {  	s9 =	smul.u32 $0xF7A, s1;
	s8 =	simm.s32 @!p0 $0x1BF5;
	p2 =	por !p2, p0  }
0x20: {  	[sflag:s8] =	ssyncset.s32 @!p0 $0xFFFFF086;
	s6 =	sadd.s32 @!p0 s3, s7;
	s7 =	simm.s32 @!p0 $0x108  }
0x21: {  	s3 =	sadd.s32 s3, s9;
	s6 =	sadd.s32 @!p0 $0x88, s6;
	s7 =	simm.s32 @p2 $0x1082  }
0x22: {  	[simem:s7], [sflag:s8] =	dma.local @!p0 [hbm:s6], $0xF7A  }
0x23: {  	s9 =	sor.u32 $0xD0000000, s2;
	s6 =	simm.s32 $0x108;
	_ =	swait.ge @!p0 [sflag:s8], $0x0  }
0x24: {  	s3 =	sadd.s32 $0x88, s3;
	s6 =	simm.s32 @!p1 $0x1082;
	[sflag:s4] =	ssyncset.s32 $0xFFFFF086  }
0x25: {  	[simem:s6], [sflag:s4] =	dma.local [hbm:s3], $0xF7A  }
0x26: {  	[smem:$0x3F96] =	sst s1;
	(tag) =	ssettag s2;
	_ =	strace s9  }
0x27: {  	s1 =	sld [smem:$0x3FA6]  }
0x28: {  	s2 =	sld [smem:$0x3FA7]  }
0x29: {  	s4 =	sld [smem:$0x3FA9]  }
0x2a: {  	p0 =	seq.s32 s5, $0x0;
	s5 =	sld [smem:$0x3FAA]  }
0x2b: {  	s6 =	sld [smem:$0x3FAB]  }
0x2c: {  	s7 =	sld [smem:$0x3FAC]  }
0x2d: {  	s3 =	simm.s32 $0x108;
	s8 =	sld [smem:$0x3FAD]  }
0x2e: {  	s3 =	simm.s32 @!p0 $0x1082;
	s9 =	sld [smem:$0x3FAE]  }
0x2f: {  	lr =	sadd.s32 s0, s3;
	s0 =	sld [smem:$0x3FA5]  }
0x30: {  	s3 =	sld [smem:$0x3FA8]  }
0x31: {  	[smem:$0x3FB1] =	sst s10  }
0x32: {  	s10 =	sld [smem:$0x3FAF];
	_ =	sdelay $0x3  }
0x33: {  	p0 =	seq.s32 s10, $0x1;
	s10 =	sld [smem:$0x3FB1];
	_ =	sdelay $0x3  }
0x34: {  	[smem:$0x3FB1] =	sst s10  }
0x35: {  	s10 =	sld [smem:$0x3FB0];
	_ =	sdelay $0x3  }
0x36: {  	p1 =	seq.s32 s10, $0x1;
	s10 =	sld [smem:$0x3FB1];
	_ =	sdelay $0x3  }
0x37: {  	[smem:$0x3FB1] =	sst s10  }
0x38: {  	s10 =	sld [smem:$0x3FB2]  }
0x39: {  	_ = 	snop;
	(pc) =	sbr.ind lr, $3  }
0x3a: {  	_ = 	snop  }
0x3b: {  	_ = 	snop  }
0x3c: {  	p2 =	seq.s32 s10, $0x1;
	s10 =	sld [smem:$0x3FB1]  }
0x3d: {  	_ =	shalt  }
0x3e: {  	_ =	shalt  }
0x3f: {  	_ =	shalt  }
0x40: {  	_ =	shalt  }
0x41: {  	_ =	shalt  }
0x42: {  	_ =	shalt  }
0x43: {  	_ =	shalt  }
0x44: {  	_ =	shalt  }
0x45: {  	_ =	shalt  }
0x46: {  	_ =	shalt  }
0x47: {  	_ =	shalt  }
0x48: {  	_ =	shalt  }
0x49: {  	_ =	shalt  }
0x4a: {  	_ =	shalt  }
0x4b: {  	_ =	shalt  }
0x4c: {  	_ =	shalt  }
0x4d: {  	_ =	shalt  }
0x4e: {  	_ =	shalt  }
0x4f: {  	_ =	shalt  }
0x50: {  	_ =	shalt  }
0x51: {  	_ =	shalt  }
0x52: {  	_ =	shalt  }
0x53: {  	_ =	shalt  }
0x54: {  	_ =	shalt  }
0x55: {  	_ =	shalt  }
0x56: {  	_ =	shalt  }
0x57: {  	_ =	shalt  }
0x58: {  	_ =	shalt  }
0x59: {  	_ =	shalt  }
0x5a: {  	_ =	shalt  }
0x5b: {  	_ =	shalt  }
0x5c: {  	_ =	shalt  }
0x5d: {  	_ =	shalt  }
0x5e: {  	_ =	shalt  }
0x5f: {  	_ =	shalt  }
0x60: {  	_ =	shalt  }
0x61: {  	_ =	shalt  }
0x62: {  	_ =	shalt  }
0x63: {  	_ =	shalt  }
0x64: {  	_ =	shalt  }
0x65: {  	_ =	shalt  }
0x66: {  	_ =	shalt  }
0x67: {  	_ =	shalt  }
0x68: {  	_ =	shalt  }
0x69: {  	_ =	shalt  }
0x6a: {  	_ =	shalt  }
0x6b: {  	_ =	shalt  }
0x6c: {  	_ =	shalt  }
0x6d: {  	_ =	shalt  }
0x6e: {  	_ =	shalt  }
0x6f: {  	_ =	shalt  }
0x70: {  	_ =	shalt  }
0x71: {  	_ =	shalt  }
0x72: {  	_ =	shalt  }
0x73: {  	_ =	shalt  }
0x74: {  	_ =	shalt  }
0x75: {  	_ =	shalt  }
0x76: {  	_ =	shalt  }
0x77: {  	_ =	shalt  }
0x78: {  	_ =	shalt  }
0x79: {  	_ =	shalt  }
0x7a: {  	_ =	shalt  }
0x7b: {  	_ =	shalt  }
0x7c: {  	_ =	shalt  }
0x7d: {  	_ =	shalt  }
0x7e: {  	_ =	shalt  }
0x7f: {  	_ =	shalt  }
0x80: {  	_ =	shalt  }
0x81: {  	_ =	shalt  }
0x82: {  	_ =	shalt  }
0x83: {  	_ =	shalt  }
0x84: {  	_ =	shalt  }
0x85: {  	_ =	shalt  }
0x86: {  	_ =	shalt  }
0x87: {  	_ =	shalt  }
.Lfunc_end0:
.L_simem_size_0:
called_computation.2_lowered:
.L_overlay_start_0:
0x88: {  	s2 =	sld [smem:$0x3FD9]  }
0x89: {  	s3 =	sld [smem:$0x3FFE];
	_ =	sdelay $0x1  }
0x8a: {  	s1 =	srdreg.scid  }
0x8b: {  	s0 =	sand.u32 $0x1, s1  }
0x8c: {  	s16 =	sshll.u32 s0, $0xA;
	s2 =	sadd.s32 s3, s2  }
0x8d: {  	s2 =	sadd.s32 s2, s16  }
0x8e: {  	[smem:$0x3FBD] =	sst s2  }
0x8f: {  	_ = 	snop  }
0x90: {  	(tm) =	ssettm $0x1  }
0x91: {  	s17 =	sld [smem:$0x3FFB];
	_ =	sdelay $0x3  }
0x92: {  	_ =	strace s17  }
0x93: {  	s2 =	sld [smem:$0x3FFC];
	_ =	sdelay $0x3  }
0x94: {  	_ =	strace s2  }
0x95: {  	s2 =	sld [smem:$0x3FFD];
	_ =	sdelay $0x3  }
0x96: {  	_ =	strace s2  }
0x97: {  	_ =	strace $0x8FFFFFFF  }
0x98: {  	s18 =	sld [smem:$0x3FDB];
	_ =	sdelay $0x1  }
0x99: {  	s19 =	simm.s32 $_scs_section_size  }
0x9a: {  	s4 =	simm.s32 $_size__tile_overlayer_lowered;
	s5 =	simm.s32 $_tile_overlayer_lowered  }
0x9b: {  	s22 =	simm.s32 $0x1BFF;
	s21 =	sshll.u32 s5, $0x1;
	s2 =	sadd.s32 s19, s18  }
0x9c: {  	s6 =	simm.s32 $0x0;
	s20 =	sshll.u32 s4, $0x1;
	s4 =	sadd.s32 s21, s2  }
0x9d: {  	[timem:s6], [sflag:s22] =	dma.local [hbm:s4], s20  }
0x9e: {  	_ =	swait.ge [sflag:s22], s20  }
0x9f: {  	s3 =	ssub.s32 $0x0, s20;
	[sflag:s22] =	ssyncset.done $0x0  }
0xa0: {  	[sflag:s22] =	ssyncadd.s32 s3;
	_ =	sdelay $0x1  }
0xa1: {  	s23 =	simm.s32 $0x1B8B  }
0xa2: {  	_ =	swait.ge [sflag:s23], $0x1  }
0xa3: {  	[sflag:s23] =	ssyncset.done $0x0  }
0xa4: {  	s25 =	simm.s32 $0x1B8E;
	s24 =	sld [smem:$0x3FFE];
	[sflag:s23] =	ssyncadd.s32 $0xFFFFFFFF  }
0xa5: {  	s26 =	simm.s32 $execute0_lowered;
	[smem:$0x3FD2] =	sst s25  }
0xa6: {  	s4 =	sshll.u32 s26, $0x1;
	_ =	strace $0x8000004C;
	[dreg:$0x1] =	wrdreg $0xFFFFFFFF  }
0xa7: {  	s28 =	simm.s32 $_size_execute0_lowered;
	s2 =	sadd.s32 s2, s4;
	[dreg:$0x0] =	wrdreg $0x0  }
0xa8: {  	s4 =	sshll.u32 s28, $0x1;
	[dreg:$0x2] =	wrdreg s2  }
0xa9: {  	[dreg:$0x3] =	wrdreg s4  }
0xaa: {  	[dreg:$0x4] =	wrdreg $0xC0  }
0xab: {  	_ =	task [dreg:s6], $0x5FFFF  }
0xac: {  	[dreg:$0x1] =	wrdreg $0xFFFFFFFF  }
0xad: {  	[dreg:$0x0] =	wrdreg $0x60  }
0xae: {  	[dreg:$0x2] =	wrdreg s24  }
0xaf: {  	[dreg:$0x3] =	wrdreg $0x9  }
0xb0: {  	_ =	task.clear_ibuf [dreg:s6], $0x4FFFF;
	_ =	strace $0x9000004C  }
0xb1: {  	s29 =	simm.s32 $0x9;
	_ =	strace $0x8000004E  }
0xb2: {  	_ =	swait.ge [sflag:s29], $0x1  }
0xb3: {  	[sflag:s29] =	ssyncadd.s32 $0xFFFFFFFF  }
0xb4: {  	_ =	strace $0x9000004E  }
0xb5: {  	_ =	sfence  }
0xb6: {  	s30 =	sld [smem:$0x0];
	_ =	sdelay $0x2  }
0xb7: {  	s31 =	sshll.u32 s1, $0xD;
	s1 =	sshrl.u32 s1, $0x2  }
0xb8: {  	s3 =	sand.u32 $0x4000, s31;
	s1 =	sadd.s32 s1, s30  }
0xb9: {  	s0 =	sor.u32 s3, s0;
	s1 =	sshll.u32 s1, $0x11  }
0xba: {  	s0 =	sor.u32 s1, s0  }
0xbb: {  	s0 =	sadd.s32 $0x8F2B, s0  }
0xbc: {  	[sflag:s0] =	ssyncadd.remote.s32 $0x1  }
0xbd: {  	_ =	sfence.sel $0xFFFF  }
0xbe: {  	[dreg:$0x0] =	wrdreg $0xFFFFFFFF;
	(pc) =	sbr.abs _section_cstart, $3  }
0xbf: {  	[dreg:$0x1] =	wrdreg $0xFFFFFFFF  }
0xc0: {  	_ =	task.clear_ibuf [dreg:s6], $0x2FFFF;
	_ =	strace $0x9FFFFFFF  }
0xc1: {  	(tm) =	ssettm $0x7FFFFFFF  }
tec
execute0_lowered:
.L_overlay_start_1:
0x0: {  	(tag) =	ssettag $0x1  }
0x1: {  	s0 =	srdreg.scid;
	s5 =	rddreg [dreg:$0x0]  }
0x2: {  	s1 =	stileid.u32;
	s2 =	simm.s32 $0x0;
	s4 =	sand.u32 $0x1, s0  }
0x3: {  	s0 =	rddreg [dreg:$0x1];
	s11 =	smul.u32 $0x13880, s1;
	s3 =	sshll.u32 s4, $0x4  }
0x4: {  	[smem:$0x7FF] =	sst s2;
	s10 =	smul.u32 $0x138800, s4;
	s6 =	sor.u32 s1, s3  }
0x5: {  	s8 =	sadd.s32 $0xC9D800, s5;
	s29 =	ssub.s32 $0x2, s4;
	s7 =	smul.u32 $0x2710, s6  }
0x6: {  	_ =	strace $0x8000004D;
	s9 =	sshrl.u32 s29, $0x1;
	s6 =	smul.u32 $0x9C400, s6  }
0x7: {  	s3 =	sadd.s32 $0x52E00, s5;
	s9 =	ssub.s32 s29, s9;
	s31 =	sadd.s32 s10, s8  }
0x8: {  	s10 =	simm.s32 $0x1;
	s7 =	sshrl.u32 s7, $0x3;
	s6 =	sshrl.u32 s6, $0x3  }
0x9: {  	s7 =	sadd.s32 s7, s5;
	s30 =	sadd.s32 s8, s6;
	s6 =	smax.u32 s9, $0x1  }
0xa: {  	s8 =	simm.s32 $0x3;
	s9 =	simm.s32 $0x2710;
	s4 =	sadd.s32 $0x3F200, s7  }
0xb: {  	s5 =	sadd.s32 $0x13600, s30;
	s7 =	sadd.s32 s11, s31;
	s11 =	simm.s32 $0x0  }
.LBB2_1:
0xc: {  	[tilespmem:s2], [sflag:$0x3] =	stream.linear.gather [hbm4b:s4+s2], $0x2710, $0x38;
	[tilespmem:$0x4F10] =	vst v63  }
0xd: {  	_ =	swait.ge [sflag:s8], $0x2710  }
0xe: {  	s13 =	sand.u32 $0x1, s2;
	[sflag:s8] =	ssyncset.done $0x0  }
0xf: {  	s12 =	simm.s32 $0x50;
	p0 =	seq.s32 s13, $0x1;
	[sflag:s8] =	ssyncadd.s32 $0xFFFFD8F0  }
0x10: {  	[tilespmem:s9], [sflag:$0x1] =	stream.indirect.gather [hbm4b:s3+s12], $0x40, s2, s12, $0xb8;
	[tilespmem:$0x4F10] =	vst v63  }
0x11: {  	s13 =	simm.s32 @p0 $0x50;
	s14 =	simm.s32 @p0 $0x2710;
	s15 =	simm.s32 @p0 $0x2  }
0x12: {  	[tilespmem:s14], [sflag:$0x1] =	stream.indirect.gather @p0 [hbm4b:s3+s13], $0x40, s12, s13, $0xb8;
	[tilespmem:$0x4F10] =	vst v63  }
0x13: {  	_ =	swait.ge @p0 [sflag:s15], $0x1400  }
0x14: {  	[sflag:s15] =	ssyncset.done @p0 $0x0  }
0x15: {  	s13 =	simm.s32 @p0 $0x0;
	s14 =	simm.s32 @p0 $0x3B10;
	[sflag:s15] =	ssyncadd.s32 @p0 $0xFFFFEC00  }
0x16: {  	[hbm4b:s7+s13] =	stream.linear.scatter @p0 [tilespmem:s14], [sflag:$0x3], $0x1400, $0x38;
	[tilespmem:$0x4F10] =	vst v63  }
0x17: {  	s16 =	simm.s32 @!p0 $0x1;
	s13 =	simm.s32 @!p0 $0x50;
	s14 =	simm.s32 @!p0 $0x3B10  }
0x18: {  	[tilespmem:s14], [sflag:$0x2] =	stream.indirect.gather @!p0 [hbm4b:s3+s13], $0x40, s12, s13, $0xb8;
	[tilespmem:$0x4F10] =	vst v63  }
0x19: {  	s15 =	simm.s32 @!p0 $0x4;
	_ =	swait.ge @!p0 [sflag:s16], $0x1400  }
0x1a: {  	s31 =	simm.s32 $0x1;
	s15 =	simm.s32 @p0 $0x3;
	[sflag:s16] =	ssyncset.done @!p0 $0x0  }
0x1b: {  	s13 =	simm.s32 @!p0 $0x2710;
	[sflag:s16] =	ssyncadd.s32 @!p0 $0xFFFFEC00;
	s16 =	simm.s32 @!p0 $0x0  }
0x1c: {  	[hbm4b:s7+s16] =	stream.linear.scatter @!p0 [tilespmem:s13], [sflag:$0x4], $0x1400, $0x38;
	[tilespmem:$0x4F10] =	vst v63  }
0x1d: {  	s14 =	simm.s32 $0x2;
	s12 =	sand.u32 $0x1, s31;
	s13 =	simm.s32 $0xA0  }
0x1e: {  	p0 =	seq.s32 s12, $0x1;
	s12 =	sadd.s32 $0x280, s7;
	_ =	swait.ge [sflag:s15], $0x1400  }
.LBB2_2:
0x1f: {  	s16 =	simm.s32 @p0 $0x50;
	s17 =	simm.s32 @p0 $0x2710  }
0x20: {  	[sflag:s15] =	ssyncset.done $0x0;
	s18 =	smov.u32 s14;
	s19 =	smov.u32 s13  }
0x21: {  	s14 =	sadd.s32 $0x1, s14;
	s20 =	simm.s32 @p0 $0x2;
	[sflag:s15] =	ssyncadd.s32 $0xFFFFEC00  }
0x22: {  	[tilespmem:s17], [sflag:$0x1] =	stream.indirect.gather @p0 [hbm4b:s3+s16], $0x40, s13, s16, $0xb8;
	[tilespmem:$0x4F10] =	vst v63  }
0x23: {  	p1 =	sne.s32 s14, $0x7C;
	_ =	swait.ge @p0 [sflag:s20], $0x1400  }
0x24: {  	s13 =	sadd.s32 $0x50, s13;
	[sflag:s20] =	ssyncset.done @p0 $0x0  }
0x25: {  	s15 =	simm.s32 @p0 $0x0;
	s16 =	simm.s32 @p0 $0x3B10;
	[sflag:s20] =	ssyncadd.s32 @p0 $0xFFFFEC00  }
0x26: {  	[hbm4b:s12+s15] =	stream.linear.scatter @p0 [tilespmem:s16], [sflag:$0x3], $0x1400, $0x38;
	[tilespmem:$0x4F10] =	vst v63  }
0x27: {  	s17 =	simm.s32 @!p0 $0x1;
	s15 =	simm.s32 @!p0 $0x50;
	s16 =	simm.s32 @!p0 $0x3B10  }
0x28: {  	[tilespmem:s16], [sflag:$0x2] =	stream.indirect.gather @!p0 [hbm4b:s3+s15], $0x40, s19, s15, $0xb8;
	[tilespmem:$0x4F10] =	vst v63  }
.Ltmp0:
0x29: {  	s16 =	sand.u32 $0x1, s18;
	_ =	swait.ge @!p0 [sflag:s17], $0x1400;
	(pc) =	sbr.rel @p1 .LBB2_2-.Ltmp0, $4  }
0x2a: {  	s18 =	simm.s32 @!p0 $0x2710;
	s15 =	simm.s32 @!p0 $0x4;
	[sflag:s17] =	ssyncset.done @!p0 $0x0  }
0x2b: {  	s15 =	simm.s32 @p0 $0x3;
	[sflag:s17] =	ssyncadd.s32 @!p0 $0xFFFFEC00;
	s17 =	simm.s32 @!p0 $0x0  }
0x2c: {  	[hbm4b:s12+s17] =	stream.linear.scatter @!p0 [tilespmem:s18], [sflag:$0x4], $0x1400, $0x38;
	[tilespmem:$0x4F10] =	vst v63  }
0x2d: {  	p0 =	seq.s32 s16, $0x1;
	s12 =	sadd.s32 $0x280, s12;
	_ =	swait.ge [sflag:s15], $0x1400  }
0x2e: {  	s14 =	simm.s32 @p0 $0x50;
	[sflag:s15] =	ssyncset.done $0x0  }
0x2f: {  	s16 =	simm.s32 @p0 $0x2710;
	s17 =	simm.s32 @p0 $0x2;
	[sflag:s15] =	ssyncadd.s32 $0xFFFFEC00  }
0x30: {  	[tilespmem:s16], [sflag:$0x1] =	stream.indirect.gather @p0 [hbm4b:s3+s14], $0x40, s13, s14, $0xb8;
	[tilespmem:$0x4F10] =	vst v63  }
0x31: {  	_ =	swait.ge @p0 [sflag:s17], $0x1400  }
0x32: {  	[sflag:s17] =	ssyncset.done @p0 $0x0  }
0x33: {  	s15 =	simm.s32 @p0 $0x3B10;
	s14 =	simm.s32 @p0 $0x0;
	[sflag:s17] =	ssyncadd.s32 @p0 $0xFFFFEC00  }
0x34: {  	[hbm4b:s12+s14] =	stream.linear.scatter @p0 [tilespmem:s15], [sflag:$0x3], $0x1400, $0x38;
	[tilespmem:$0x4F10] =	vst v63  }
0x35: {  	s16 =	simm.s32 @!p0 $0x1;
	s14 =	simm.s32 @!p0 $0x50;
	s15 =	simm.s32 @!p0 $0x3B10  }
0x36: {  	[tilespmem:s15], [sflag:$0x2] =	stream.indirect.gather @!p0 [hbm4b:s3+s14], $0x40, s13, s14, $0xb8;
	[tilespmem:$0x4F10] =	vst v63  }
0x37: {  	_ =	swait.ge @!p0 [sflag:s16], $0x1400  }
0x38: {  	s13 =	simm.s32 @!p0 $0x2710;
	s14 =	simm.s32 @!p0 $0x4;
	[sflag:s16] =	ssyncset.done @!p0 $0x0  }
0x39: {  	s15 =	simm.s32 @!p0 $0x0;
	s14 =	simm.s32 @p0 $0x3;
	[sflag:s16] =	ssyncadd.s32 @!p0 $0xFFFFEC00  }
0x3a: {  	[hbm4b:s12+s15] =	stream.linear.scatter @!p0 [tilespmem:s13], [sflag:$0x4], $0x1400, $0x38;
	[tilespmem:$0x4F10] =	vst v63  }
0x3b: {  	_ =	swait.ge [sflag:s14], $0x1400  }
0x3c: {  	[sflag:s14] =	ssyncset.done $0x0  }
0x3d: {  	[sflag:s14] =	ssyncadd.s32 $0xFFFFEC00  }
0x3e: {  	s11 =	sadd.s32 $0x1, s11;
	_ =	swait.ge [sflag:s10], $0x1400  }
0x3f: {  	p0 =	sne.s32 s11, s6;
	[sflag:s10] =	ssyncset.done $0x0  }
.Ltmp1:
0x40: {  	[sflag:s10] =	ssyncadd.s32 $0xFFFFEC00;
	(pc) =	sbr.rel @p0 .LBB2_1-.Ltmp1, $4  }
0x41: {  	[hbm4b:s5+s2] =	stream.linear.scatter [tilespmem:s9], [sflag:$0x3], $0x1400, $0x38;
	[tilespmem:$0x4F10] =	vst v63  }
0x42: {  	_ =	swait.ge [sflag:s8], $0x1400  }
0x43: {  	[sflag:s8] =	ssyncset.done $0x0  }
0x44: {  	[sflag:s8] =	ssyncadd.s32 $0xFFFFEC00  }
0x45: {  	_ =	sfence.sel $0x180000  }
0x46: {  	[bflag:$0x0] =	sbarrier.arrive $0xFFFF  }
0x47: {  	p0 =	sne.s32 s1, $0x0;
	_ =	strace $0x9000004D  }
0x48: {  	s0 =	sadd.s32 @!p0 $0x100000, s0;
	[bflag:$0x2] =	sbarrier.arrive $0xFFFF  }
0x49: {  	[sflag:s0] =	ssyncadd.tile.s32 @!p0 $0x1;
	_ =	shalt  }
.Lfunc_end2:
_tile_overlayer_lowered:
.L_overlay_start_2:
0x4a: {  	(tag) =	ssettag $0x2  }
0x4b: {  	s0 =	rddreg [dreg:$0x0];
	s2 =	stileid.u32  }
0x4c: {  	s1 =	rddreg [dreg:$0x1];
	p0 =	sne.s32 s2, $0x0  }
0x4d: {  	s3 =	rddreg [dreg:$0x2];
	[bflag:$0x3] =	sbarrier.arrive $0xFFFF;
	s2 =	simm.s32 @!p0 $0x1C03  }
0x4e: {  	[timem:s3], [sflag:s2] =	dma.local @!p0 [hbm:s0], s1  }
0x4f: {  	s0 =	simm.s32 @!p0 $0x3  }
0x50: {  	_ =	swait.ge @!p0 [sflag:s0], s1  }
0x51: {  	s1 =	ssub.s32 @!p0 $0x0, s1;
	[sflag:s0] =	ssyncset.done @!p0 $0x0  }
0x52: {  	[sflag:s0] =	ssyncadd.s32 @!p0 s1  }
0x53: {  	[bflag:$0x3] =	sbarrier.arrive $0xFFFF  }
0x54: {  	_ =	shalt  }

// kernel: kernel.20.cloned.1.call-start
scs
__scs_entry_jumppad:
0x0: {  	(pc) =	sbr.rel $0x88, $3  }
0x1: {  	(tag) =	ssettag $0x0;
	lr =	simm.s32 $0x1  }
0x2: {  	[smem:$0x3F96] =	sst lr;
	_ =	strace $0xD0000000  }
0x3: {  	_ = 	snop  }
0x4: {  	_ = 	snop  }
0x5: {  	_ = 	snop  }
0x6: {  	_ = 	snop  }
0x7: {  	_ = 	snop  }
__scs_overlays_trampoline_lowered:
0x8: {  	[smem:$0x3FA5] =	sst s0  }
0x9: {  	[smem:$0x3FA6] =	sst s1  }
0xa: {  	[smem:$0x3FA7] =	sst s2  }
0xb: {  	[smem:$0x3FA8] =	sst s3  }
0xc: {  	[smem:$0x3FA9] =	sst s4  }
0xd: {  	[smem:$0x3FAA] =	sst s5  }
0xe: {  	[smem:$0x3FAB] =	sst s6  }
0xf: {  	[smem:$0x3FAC] =	sst s7  }
0x10: {  	[smem:$0x3FAD] =	sst s8  }
0x11: {  	[smem:$0x3FAE] =	sst s9;
	s0 =	simm.s32 @!p0 $0x0  }
0x12: {  	s1 =	sld [smem:$0x3F94];
	s0 =	simm.s32 @p0 $0x1  }
0x13: {  	[smem:$0x3FAF] =	sst s0;
	s0 =	simm.s32 @!p1 $0x0  }
0x14: {  	s2 =	sld [smem:$0x3F93];
	s0 =	simm.s32 @p1 $0x1  }
0x15: {  	[smem:$0x3FB0] =	sst s0;
	s0 =	simm.s32 @!p2 $0x0  }
0x16: {  	s3 =	sld [smem:$0x3FDB];
	s0 =	simm.s32 @p2 $0x1  }
0x17: {  	s4 =	simm.s32 $0x1BF5;
	[smem:$0x3FB2] =	sst s0  }
0x18: {  	s0 =	sld [smem:$0x3F95];
	_ =	swait.ge [sflag:s4], $0x0  }
0x19: {  	s7 =	sld [smem:$0x3F96]  }
0x1a: {  	s8 =	sadd.s32 $0xFFFFE003, lr  }
0x1b: {  	s9 =	sadd.s32 $0xFFFFFEF7, lr;
	s5 =	simm.s32 $0xFFFFFFFF;
	p2 =	slt.u32 s8, $0xFFFFF086  }
0x1c: {  	p1 =	slt.u32 s9, $0xF7A;
	s5 =	simm.s32 @!p2 $0x0  }
0x1d: {  	s5 =	simm.s32 @p1 $0x1;
	p0 =	seq.s32 s7, s2  }
0x1e: {  	s7 =	smul.u32 @!p0 $0xF7A, s2;
	p2 =	seq.s32 @!p0 s5, $0x0  }
0x1f: {  	s9 =	smul.u32 $0xF7A, s1;
	s8 =	simm.s32 @!p0 $0x1BF5;
	p2 =	por !p2, p0  }
0x20: {  	[sflag:s8] =	ssyncset.s32 @!p0 $0xFFFFF086;
	s6 =	sadd.s32 @!p0 s3, s7;
	s7 =	simm.s32 @!p0 $0x108  }
0x21: {  	s3 =	sadd.s32 s3, s9;
	s6 =	sadd.s32 @!p0 $0x88, s6;
	s7 =	simm.s32 @p2 $0x1082  }
0x22: {  	[simem:s7], [sflag:s8] =	dma.local @!p0 [hbm:s6], $0xF7A  }
0x23: {  	s9 =	sor.u32 $0xD0000000, s2;
	s6 =	simm.s32 $0x108;
	_ =	swait.ge @!p0 [sflag:s8], $0x0  }
0x24: {  	s3 =	sadd.s32 $0x88, s3;
	s6 =	simm.s32 @!p1 $0x1082;
	[sflag:s4] =	ssyncset.s32 $0xFFFFF086  }
0x25: {  	[simem:s6], [sflag:s4] =	dma.local [hbm:s3], $0xF7A  }
0x26: {  	[smem:$0x3F96] =	sst s1;
	(tag) =	ssettag s2;
	_ =	strace s9  }
0x27: {  	s1 =	sld [smem:$0x3FA6]  }
0x28: {  	s2 =	sld [smem:$0x3FA7]  }
0x29: {  	s4 =	sld [smem:$0x3FA9]  }
0x2a: {  	p0 =	seq.s32 s5, $0x0;
	s5 =	sld [smem:$0x3FAA]  }
0x2b: {  	s6 =	sld [smem:$0x3FAB]  }
0x2c: {  	s7 =	sld [smem:$0x3FAC]  }
0x2d: {  	s3 =	simm.s32 $0x108;
	s8 =	sld [smem:$0x3FAD]  }
0x2e: {  	s3 =	simm.s32 @!p0 $0x1082;
	s9 =	sld [smem:$0x3FAE]  }
0x2f: {  	lr =	sadd.s32 s0, s3;
	s0 =	sld [smem:$0x3FA5]  }
0x30: {  	s3 =	sld [smem:$0x3FA8]  }
0x31: {  	[smem:$0x3FB1] =	sst s10  }
0x32: {  	s10 =	sld [smem:$0x3FAF];
	_ =	sdelay $0x3  }
0x33: {  	p0 =	seq.s32 s10, $0x1;
	s10 =	sld [smem:$0x3FB1];
	_ =	sdelay $0x3  }
0x34: {  	[smem:$0x3FB1] =	sst s10  }
0x35: {  	s10 =	sld [smem:$0x3FB0];
	_ =	sdelay $0x3  }
0x36: {  	p1 =	seq.s32 s10, $0x1;
	s10 =	sld [smem:$0x3FB1];
	_ =	sdelay $0x3  }
0x37: {  	[smem:$0x3FB1] =	sst s10  }
0x38: {  	s10 =	sld [smem:$0x3FB2]  }
0x39: {  	_ = 	snop;
	(pc) =	sbr.ind lr, $3  }
0x3a: {  	_ = 	snop  }
0x3b: {  	_ = 	snop  }
0x3c: {  	p2 =	seq.s32 s10, $0x1;
	s10 =	sld [smem:$0x3FB1]  }
0x3d: {  	_ =	shalt  }
0x3e: {  	_ =	shalt  }
0x3f: {  	_ =	shalt  }
0x40: {  	_ =	shalt  }
0x41: {  	_ =	shalt  }
0x42: {  	_ =	shalt  }
0x43: {  	_ =	shalt  }
0x44: {  	_ =	shalt  }
0x45: {  	_ =	shalt  }
0x46: {  	_ =	shalt  }
0x47: {  	_ =	shalt  }
0x48: {  	_ =	shalt  }
0x49: {  	_ =	shalt  }
0x4a: {  	_ =	shalt  }
0x4b: {  	_ =	shalt  }
0x4c: {  	_ =	shalt  }
0x4d: {  	_ =	shalt  }
0x4e: {  	_ =	shalt  }
0x4f: {  	_ =	shalt  }
0x50: {  	_ =	shalt  }
0x51: {  	_ =	shalt  }
0x52: {  	_ =	shalt  }
0x53: {  	_ =	shalt  }
0x54: {  	_ =	shalt  }
0x55: {  	_ =	shalt  }
0x56: {  	_ =	shalt  }
0x57: {  	_ =	shalt  }
0x58: {  	_ =	shalt  }
0x59: {  	_ =	shalt  }
0x5a: {  	_ =	shalt  }
0x5b: {  	_ =	shalt  }
0x5c: {  	_ =	shalt  }
0x5d: {  	_ =	shalt  }
0x5e: {  	_ =	shalt  }
0x5f: {  	_ =	shalt  }
0x60: {  	_ =	shalt  }
0x61: {  	_ =	shalt  }
0x62: {  	_ =	shalt  }
0x63: {  	_ =	shalt  }
0x64: {  	_ =	shalt  }
0x65: {  	_ =	shalt  }
0x66: {  	_ =	shalt  }
0x67: {  	_ =	shalt  }
0x68: {  	_ =	shalt  }
0x69: {  	_ =	shalt  }
0x6a: {  	_ =	shalt  }
0x6b: {  	_ =	shalt  }
0x6c: {  	_ =	shalt  }
0x6d: {  	_ =	shalt  }
0x6e: {  	_ =	shalt  }
0x6f: {  	_ =	shalt  }
0x70: {  	_ =	shalt  }
0x71: {  	_ =	shalt  }
0x72: {  	_ =	shalt  }
0x73: {  	_ =	shalt  }
0x74: {  	_ =	shalt  }
0x75: {  	_ =	shalt  }
0x76: {  	_ =	shalt  }
0x77: {  	_ =	shalt  }
0x78: {  	_ =	shalt  }
0x79: {  	_ =	shalt  }
0x7a: {  	_ =	shalt  }
0x7b: {  	_ =	shalt  }
0x7c: {  	_ =	shalt  }
0x7d: {  	_ =	shalt  }
0x7e: {  	_ =	shalt  }
0x7f: {  	_ =	shalt  }
0x80: {  	_ =	shalt  }
0x81: {  	_ =	shalt  }
0x82: {  	_ =	shalt  }
0x83: {  	_ =	shalt  }
0x84: {  	_ =	shalt  }
0x85: {  	_ =	shalt  }
0x86: {  	_ =	shalt  }
0x87: {  	_ =	shalt  }
.Lfunc_end0:
.L_simem_size_0:
called_computation.3_lowered:
.L_overlay_start_0:
0x88: {  	s2 =	sld [smem:$0x3FD9]  }
0x89: {  	s3 =	sld [smem:$0x3FFE];
	_ =	sdelay $0x1  }
0x8a: {  	s1 =	srdreg.scid  }
0x8b: {  	s0 =	sand.u32 $0x1, s1  }
0x8c: {  	s16 =	sshll.u32 s0, $0xA;
	s2 =	sadd.s32 s3, s2  }
0x8d: {  	s2 =	sadd.s32 s2, s16  }
0x8e: {  	[smem:$0x3FBD] =	sst s2  }
0x8f: {  	_ = 	snop  }
0x90: {  	(tm) =	ssettm $0x1  }
0x91: {  	s17 =	sld [smem:$0x3FFB];
	_ =	sdelay $0x3  }
0x92: {  	_ =	strace s17  }
0x93: {  	s2 =	sld [smem:$0x3FFC];
	_ =	sdelay $0x3  }
0x94: {  	_ =	strace s2  }
0x95: {  	s2 =	sld [smem:$0x3FFD];
	_ =	sdelay $0x3  }
0x96: {  	_ =	strace s2  }
0x97: {  	_ =	strace $0x8FFFFFFF  }
0x98: {  	s18 =	sld [smem:$0x3FDB];
	_ =	sdelay $0x1  }
0x99: {  	s19 =	simm.s32 $_scs_section_size  }
0x9a: {  	s4 =	simm.s32 $_size__tile_overlayer_lowered;
	s5 =	simm.s32 $_tile_overlayer_lowered  }
0x9b: {  	s22 =	simm.s32 $0x1BFF;
	s21 =	sshll.u32 s5, $0x1;
	s2 =	sadd.s32 s19, s18  }
0x9c: {  	s6 =	simm.s32 $0x0;
	s20 =	sshll.u32 s4, $0x1;
	s4 =	sadd.s32 s21, s2  }
0x9d: {  	[timem:s6], [sflag:s22] =	dma.local [hbm:s4], s20  }
0x9e: {  	_ =	swait.ge [sflag:s22], s20  }
0x9f: {  	s3 =	ssub.s32 $0x0, s20;
	[sflag:s22] =	ssyncset.done $0x0  }
0xa0: {  	[sflag:s22] =	ssyncadd.s32 s3;
	_ =	sdelay $0x1  }
0xa1: {  	s23 =	simm.s32 $0x1B8B  }
0xa2: {  	_ =	swait.ge [sflag:s23], $0x1  }
0xa3: {  	[sflag:s23] =	ssyncset.done $0x0  }
0xa4: {  	s25 =	simm.s32 $0x1B8E;
	s24 =	sld [smem:$0x3FFE];
	[sflag:s23] =	ssyncadd.s32 $0xFFFFFFFF  }
0xa5: {  	s26 =	simm.s32 $execute0_lowered;
	[smem:$0x3FD2] =	sst s25  }
0xa6: {  	s4 =	sshll.u32 s26, $0x1;
	_ =	strace $0x8000004F;
	[dreg:$0x1] =	wrdreg $0xFFFFFFFF  }
0xa7: {  	s28 =	simm.s32 $_size_execute0_lowered;
	s2 =	sadd.s32 s2, s4;
	[dreg:$0x0] =	wrdreg $0x0  }
0xa8: {  	s4 =	sshll.u32 s28, $0x1;
	[dreg:$0x2] =	wrdreg s2  }
0xa9: {  	[dreg:$0x3] =	wrdreg s4  }
0xaa: {  	[dreg:$0x4] =	wrdreg $0xC0  }
0xab: {  	_ =	task [dreg:s6], $0x5FFFF  }
0xac: {  	[dreg:$0x1] =	wrdreg $0xFFFFFFFF  }
0xad: {  	[dreg:$0x0] =	wrdreg $0x60  }
0xae: {  	[dreg:$0x2] =	wrdreg s24  }
0xaf: {  	[dreg:$0x3] =	wrdreg $0x4F100  }
0xb0: {  	[dreg:$0x4] =	wrdreg $0x9  }
0xb1: {  	_ =	task.clear_ibuf [dreg:s6], $0x5FFFF;
	_ =	strace $0x9000004F  }
0xb2: {  	s29 =	simm.s32 $0x9;
	_ =	strace $0x80000051  }
0xb3: {  	_ =	swait.ge [sflag:s29], $0x1  }
0xb4: {  	[sflag:s29] =	ssyncadd.s32 $0xFFFFFFFF  }
0xb5: {  	_ =	strace $0x90000051  }
0xb6: {  	_ =	sfence  }
0xb7: {  	s30 =	sld [smem:$0x0];
	_ =	sdelay $0x2  }
0xb8: {  	s31 =	sshll.u32 s1, $0xD;
	s1 =	sshrl.u32 s1, $0x2  }
0xb9: {  	s3 =	sand.u32 $0x4000, s31;
	s1 =	sadd.s32 s1, s30  }
0xba: {  	s0 =	sor.u32 s3, s0;
	s1 =	sshll.u32 s1, $0x11  }
0xbb: {  	s0 =	sor.u32 s1, s0  }
0xbc: {  	s0 =	sadd.s32 $0x8F2B, s0  }
0xbd: {  	[sflag:s0] =	ssyncadd.remote.s32 $0x1  }
0xbe: {  	_ =	sfence.sel $0xFFFF  }
0xbf: {  	[dreg:$0x0] =	wrdreg $0xFFFFFFFF;
	(pc) =	sbr.abs _section_cstart, $3  }
0xc0: {  	[dreg:$0x1] =	wrdreg $0xFFFFFFFF  }
0xc1: {  	_ =	task.clear_ibuf [dreg:s6], $0x2FFFF;
	_ =	strace $0x9FFFFFFF  }
0xc2: {  	(tm) =	ssettm $0x7FFFFFFF  }
0xc3: {  	_ =	shalt  }
tec
execute0_lowered:
.L_overlay_start_1:
0x0: {  	(tag) =	ssettag $0x1  }
0x1: {  	s0 =	srdreg.scid;
	s5 =	rddreg [dreg:$0x0]  }
0x2: {  	s2 =	rddreg [dreg:$0x1];
	s4 =	sand.u32 $0x1, s0;
	s0 =	stileid.u32  }
0x3: {  	s3 =	simm.s32 $0x0;
	s15 =	simm.s32 $0x50;
	s8 =	smul.u32 $0xA000, s0  }
0x4: {  	s16 =	simm.s32 $0x26C0;
	s17 =	simm.s32 $0x0;
	s9 =	smul.u32 $0xA0000, s4  }
0x5: {  	[smem:$0x7FF] =	sst s3;
	s10 =	sadd.s32 $0xC9D800, s5;
	s13 =	smul.u32 $0x27100, s4  }
0x6: {  	s1 =	sshll.u32 s4, $0x4;
	s12 =	ssub.s32 $0x2, s4;
	s29 =	smul.u32 $0x2710, s0  }
0x7: {  	s30 =	sshll.u32 s0, $0x6;
	s6 =	sor.u32 s0, s1;
	s1 =	rddreg [dreg:$0x2]  }
0x8: {  	_ =	strace $0x80000050;
	s28 =	sshrl.u32 s12, $0x1;
	s7 =	smul.u32 $0x2710, s6  }
0x9: {  	s11 =	sshrl.u32 s8, $0x3;
	s9 =	sadd.s32 s8, s9;
	s12 =	ssub.s32 s12, s28  }
0xa: {  	s14 =	sadd.s32 s8, s2;
	s31 =	smul.u32 $0x13880, s6;
	s13 =	sadd.s32 s29, s13  }
0xb: {  	s11 =	sadd.s32 s11, s5;
	s9 =	sshrl.u32 s9, $0x3;
	s13 =	sshll.u32 s13, $0x3  }
0xc: {  	s7 =	sshrl.u32 s7, $0x3;
	s9 =	sadd.s32 s9, s5;
	s4 =	sadd.s32 $0xC89800, s11  }
0xd: {  	s11 =	sshrl.u32 s14, $0x3;
	s14 =	simm.s32 $0x1;
	s7 =	sadd.s32 s7, s5  }
0xe: {  	s5 =	sor.u32 $0x1C03, s30;
	s8 =	sadd.s32 $0x52E00, s9;
	s9 =	smax.u32 s12, $0x1  }
0xf: {  	s6 =	sadd.s32 $0x49000, s7;
	s7 =	sadd.s32 s10, s31;
	s10 =	sadd.s32 s10, s13  }
0x10: {  	s12 =	simm.s32 $0x3;
	s13 =	simm.s32 $0x2710;
	s10 =	sadd.s32 $0x280, s10  }
.LBB2_1:
0x11: {  	[spmem:s11], [sflag:s5] =	dma.local [hbm:s4], $0x1400  }
0x12: {  	_ =	swait.ge [sflag:s12], $0x1400  }
0x13: {  	[sflag:s12] =	ssyncset.done $0x0  }
0x14: {  	[sflag:s12] =	ssyncadd.s32 $0xFFFFEC00  }
0x15: {  	[tilespmem:s3], [sflag:$0x3] =	stream.linear.gather [hbm4b:s6+s3], $0x2710, $0x38;
	[tilespmem:$0xEF10] =	vst v63  }
0x16: {  	_ =	swait.ge [sflag:s12], $0x2710  }
0x17: {  	[sflag:s12] =	ssyncset.done $0x0  }
0x18: {  	s18 =	sand.u32 $0x1, s3;
	[sflag:s12] =	ssyncadd.s32 $0xFFFFD8F0  }
0x19: {  	p0 =	seq.s32 s18, $0x1;
	[bflag:$0x0] =	sbarrier.arrive $0xFFFF  }
0x1a: {  	[tilespmem:s13], [sflag:$0x1] =	stream.linear.gather [hbm4b:s7+s3], $0x1400, $0x38;
	[tilespmem:$0xEF10] =	vst v63  }
0x1b: {  	s18 =	simm.s32 @p0 $0x0;
	s19 =	simm.s32 @p0 $0x2710;
	s20 =	simm.s32 @p0 $0x2  }
0x1c: {  	[tilespmem:s19], [sflag:$0x1] =	stream.linear.gather @p0 [hbm4b:s10+s18], $0x1400, $0x38;
	[tilespmem:$0xEF10] =	vst v63  }
0x1d: {  	_ =	swait.ge @p0 [sflag:s20], $0x1400  }
0x1e: {  	[sflag:s20] =	ssyncset.done @p0 $0x0  }
0x1f: {  	s18 =	simm.s32 @p0 $0x50;
	s19 =	simm.s32 @p0 $0x3B10;
	[sflag:s20] =	ssyncadd.s32 @p0 $0xFFFFEC00  }
0x20: {  	[spmem:s2] =	stream.indirect.scatter.add.f32 @p0 [tilespmem:s19], [sflag:$0x3], $0x40, s3, s18, $0xb8;
	[tilespmem:$0xEF10] =	vst v63  }
0x21: {  	s22 =	simm.s32 @!p0 $0x1;
	s18 =	simm.s32 @!p0 $0x0;
	s19 =	simm.s32 @!p0 $0x3B10  }
0x22: {  	[tilespmem:s19], [sflag:$0x2] =	stream.linear.gather @!p0 [hbm4b:s10+s18], $0x1400, $0x38;
	[tilespmem:$0xEF10] =	vst v63  }
0x23: {  	s21 =	simm.s32 @!p0 $0x4;
	_ =	swait.ge @!p0 [sflag:s22], $0x1400  }
0x24: {  	s31 =	simm.s32 $0x1;
	s21 =	simm.s32 @p0 $0x3;
	[sflag:s22] =	ssyncset.done @!p0 $0x0  }
0x25: {  	s19 =	simm.s32 @!p0 $0x2710;
	[sflag:s22] =	ssyncadd.s32 @!p0 $0xFFFFEC00;
	s22 =	simm.s32 @!p0 $0x50  }
0x26: {  	[spmem:s2] =	stream.indirect.scatter.add.f32 @!p0 [tilespmem:s19], [sflag:$0x4], $0x40, s3, s22, $0xb8;
	[tilespmem:$0xEF10] =	vst v63  }
0x27: {  	s20 =	simm.s32 $0x2;
	s18 =	sand.u32 $0x1, s31;
	s19 =	sadd.s32 $0x280, s10  }
0x28: {  	p0 =	seq.s32 s18, $0x1;
	s18 =	simm.s32 $0x50;
	_ =	swait.ge [sflag:s21], $0x1400  }
.LBB2_2:
0x29: {  	s22 =	simm.s32 @p0 $0x0;
	s23 =	simm.s32 @p0 $0x2710  }
0x2a: {  	[sflag:s21] =	ssyncset.done $0x0;
	s24 =	smov.u32 s20;
	s25 =	smov.u32 s19  }
0x2b: {  	s20 =	sadd.s32 $0x1, s20;
	s26 =	simm.s32 @p0 $0x2;
	[sflag:s21] =	ssyncadd.s32 $0xFFFFEC00  }
0x2c: {  	[tilespmem:s23], [sflag:$0x1] =	stream.linear.gather @p0 [hbm4b:s19+s22], $0x1400, $0x38;
	[tilespmem:$0xEF10] =	vst v63  }
0x2d: {  	p1 =	sne.s32 s20, $0x7C;
	_ =	swait.ge @p0 [sflag:s26], $0x1400  }
0x2e: {  	s19 =	sadd.s32 $0x280, s19;
	[sflag:s26] =	ssyncset.done @p0 $0x0  }
0x2f: {  	s21 =	simm.s32 @p0 $0x50;
	s22 =	simm.s32 @p0 $0x3B10;
	[sflag:s26] =	ssyncadd.s32 @p0 $0xFFFFEC00  }
0x30: {  	[spmem:s2] =	stream.indirect.scatter.add.f32 @p0 [tilespmem:s22], [sflag:$0x3], $0x40, s18, s21, $0xb8;
	[tilespmem:$0xEF10] =	vst v63  }
0x31: {  	s23 =	simm.s32 @!p0 $0x1;
	s21 =	simm.s32 @!p0 $0x0;
	s22 =	simm.s32 @!p0 $0x3B10  }
0x32: {  	[tilespmem:s22], [sflag:$0x2] =	stream.linear.gather @!p0 [hbm4b:s25+s21], $0x1400, $0x38;
	[tilespmem:$0xEF10] =	vst v63  }
.Ltmp0:
0x33: {  	s22 =	sand.u32 $0x1, s24;
	_ =	swait.ge @!p0 [sflag:s23], $0x1400;
	(pc) =	sbr.rel @p1 .LBB2_2-.Ltmp0, $4  }
0x34: {  	s24 =	simm.s32 @!p0 $0x2710;
	s21 =	simm.s32 @!p0 $0x4;
	[sflag:s23] =	ssyncset.done @!p0 $0x0  }
0x35: {  	s21 =	simm.s32 @p0 $0x3;
	[sflag:s23] =	ssyncadd.s32 @!p0 $0xFFFFEC00;
	s23 =	simm.s32 @!p0 $0x50  }
0x36: {  	[spmem:s2] =	stream.indirect.scatter.add.f32 @!p0 [tilespmem:s24], [sflag:$0x4], $0x40, s18, s23, $0xb8;
	[tilespmem:$0xEF10] =	vst v63  }
0x37: {  	p0 =	seq.s32 s22, $0x1;
	s18 =	sadd.s32 $0x50, s18;
	_ =	swait.ge [sflag:s21], $0x1400  }
0x38: {  	s20 =	simm.s32 @p0 $0x0;
	[sflag:s21] =	ssyncset.done $0x0  }
0x39: {  	s22 =	simm.s32 @p0 $0x2710;
	s23 =	simm.s32 @p0 $0x2;
	[sflag:s21] =	ssyncadd.s32 $0xFFFFEC00  }
0x3a: {  	[tilespmem:s22], [sflag:$0x1] =	stream.linear.gather @p0 [hbm4b:s19+s20], $0x1400, $0x38;
	[tilespmem:$0xEF10] =	vst v63  }
0x3b: {  	_ =	swait.ge @p0 [sflag:s23], $0x1400  }
0x3c: {  	[sflag:s23] =	ssyncset.done @p0 $0x0  }
0x3d: {  	s21 =	simm.s32 @p0 $0x3B10;
	s20 =	simm.s32 @p0 $0x50;
	[sflag:s23] =	ssyncadd.s32 @p0 $0xFFFFEC00  }
0x3e: {  	[spmem:s2] =	stream.indirect.scatter.add.f32 @p0 [tilespmem:s21], [sflag:$0x3], $0x40, s18, s20, $0xb8;
	[tilespmem:$0xEF10] =	vst v63  }
0x3f: {  	s22 =	simm.s32 @!p0 $0x1;
	s20 =	simm.s32 @!p0 $0x0;
	s21 =	simm.s32 @!p0 $0x3B10  }
0x40: {  	[tilespmem:s21], [sflag:$0x2] =	stream.linear.gather @!p0 [hbm4b:s19+s20], $0x1400, $0x38;
	[tilespmem:$0xEF10] =	vst v63  }
0x41: {  	_ =	swait.ge @!p0 [sflag:s22], $0x1400  }
0x42: {  	s19 =	simm.s32 @!p0 $0x2710;
	s20 =	simm.s32 @!p0 $0x4;
	[sflag:s22] =	ssyncset.done @!p0 $0x0  }
0x43: {  	s21 =	simm.s32 @!p0 $0x50;
	s20 =	simm.s32 @p0 $0x3;
	[sflag:s22] =	ssyncadd.s32 @!p0 $0xFFFFEC00  }
0x44: {  	[spmem:s2] =	stream.indirect.scatter.add.f32 @!p0 [tilespmem:s19], [sflag:$0x4], $0x40, s18, s21, $0xb8;
	[tilespmem:$0xEF10] =	vst v63  }
0x45: {  	_ =	swait.ge [sflag:s20], $0x1400  }
0x46: {  	[sflag:s20] =	ssyncset.done $0x0  }
0x47: {  	[sflag:s20] =	ssyncadd.s32 $0xFFFFEC00  }
0x48: {  	_ =	swait.ge [sflag:s14], $0x1400  }
0x49: {  	[sflag:s14] =	ssyncset.done $0x0  }
0x4a: {  	[sflag:s14] =	ssyncadd.s32 $0xFFFFEC00  }
0x4b: {  	[spmem:s2] =	stream.indirect.scatter.add.f32 [tilespmem:s13], [sflag:$0x3], $0x40, s16, s15, $0xb8;
	[tilespmem:$0xEF10] =	vst v63  }
0x4c: {  	_ =	swait.ge [sflag:s12], $0x1400  }
0x4d: {  	s17 =	sadd.s32 $0x1, s17;
	[sflag:s12] =	ssyncset.done $0x0  }
0x4e: {  	p0 =	sne.s32 s17, s9;
	[sflag:s12] =	ssyncadd.s32 $0xFFFFEC00  }
.Ltmp1:
0x4f: {  	[bflag:$0x0] =	sbarrier.arrive $0xFFFF;
	(pc) =	sbr.rel @p0 .LBB2_1-.Ltmp1, $4  }
0x50: {  	[hbm:s8], [sflag:s5] =	dma.local [spmem:s11], $0x1400  }
0x51: {  	_ =	swait.ge [sflag:s12], $0x1400  }
0x52: {  	[sflag:s12] =	ssyncset.done $0x0  }
0x53: {  	[sflag:s12] =	ssyncadd.s32 $0xFFFFEC00  }
0x54: {  	_ =	sfence.sel $0x180000  }
0x55: {  	[bflag:$0x0] =	sbarrier.arrive $0xFFFF  }
0x56: {  	p0 =	sne.s32 s0, $0x0;
	_ =	strace $0x90000050  }
0x57: {  	s0 =	sadd.s32 @!p0 $0x100000, s1;
	[bflag:$0x2] =	sbarrier.arrive $0xFFFF  }
0x58: {  	[sflag:s0] =	ssyncadd.tile.s32 @!p0 $0x1;
	_ =	shalt  }
.Lfunc_end2:
_tile_overlayer_lowered:
.L_overlay_start_2:
0x59: {  	(tag) =	ssettag $0x2  }
0x5a: {  	s0 =	rddreg [dreg:$0x0];
	s2 =	stileid.u32  }
0x5b: {  	s1 =	rddreg [dreg:$0x1];
	p0 =	sne.s32 s2, $0x0  }
0x5c: {  	s3 =	rddreg [dreg:$0x2];
	[bflag:$0x3] =	sbarrier.arrive $0xFFFF;
	s2 =	simm.s32 @!p0 $0x1C03  }
0x5d: {  	[timem:s3], [sflag:s2] =	dma.local @!p0 [hbm:s0], s1  }
0x5e: {  	s0 =	simm.s32 @!p0 $0x3  }
0x5f: {  	_ =	swait.ge @!p0 [sflag:s0], s1  }
0x60: {  	s1 =	ssub.s32 @!p0 $0x0, s1;
	[sflag:s0] =	ssyncset.done @!p0 $0x0  }
0x61: {  	[sflag:s0] =	ssyncadd.s32 @!p0 s1  }
0x62: {  	[bflag:$0x3] =	sbarrier.arrive $0xFFFF  }
0x63: {  	_ =	shalt  }

</sc_bundles>
